<compile_context>
chip_gen: v7x
topology: tpu7x:2x2x1
jax: 0.10.2.dev20260603
libtpu: 0.0.44.dev20260713+nightly
codegen_flags: <defaults>
</compile_context>

<pallas_src>
import functools

import jax
import jax.numpy as jnp
from jax import lax
from jax.experimental import pallas as pl
from jax.experimental.pallas import tpu as pltpu
from jax.experimental.pallas import tpu_sc as plsc

_D = 64
_B = 4096
_H = 200

_NC = 2
_NS = 16
_NW = _NC * _NS
_TOTAL = _B * _H
_PER_W = _TOTAL // _NW
_CHUNK = 128
_NCHUNK = _PER_W // _CHUNK
_K = 5
_GROUP = _K * _CHUNK
_NG = _NCHUNK // _K
_NIT = _NG // 2


def _embed_gather(weight, idx3):
  mesh = plsc.VectorSubcoreMesh(core_axis_name="c", subcore_axis_name="s")

  @functools.partial(
      pl.kernel,
      mesh=mesh,
      out_type=jax.ShapeDtypeStruct((_TOTAL, 2 * _D), jnp.float32),
      compiler_params=pltpu.CompilerParams(
          use_tc_tiling_on_sc=False, needs_layout_passes=False),
      scratch_types=[
          pltpu.VMEM((_NCHUNK, _CHUNK), jnp.int32),
          pltpu.VMEM((_GROUP, _D), jnp.float32),
          pltpu.VMEM((_GROUP, _D), jnp.float32),
          pltpu.SemaphoreType.DMA,
          pltpu.SemaphoreType.DMA,
      ],
  )
  def k(table_hbm, idx_hbm, out_hbm, idx_v, bufa, bufb, g0, g1):
    wid = lax.axis_index("s") * _NC + lax.axis_index("c")
    base = wid * _PER_W
    pltpu.sync_copy(idx_hbm.at[wid], idx_v)

    def fire_gather(group, buf, sem):
      for j in range(_K):
        pltpu.async_copy(
            table_hbm.at[idx_v.at[group * _K + j]],
            buf.at[pl.ds(j * _CHUNK, _CHUNK)], sem)

    def drain_gather(group, buf, sem):
      for j in range(_K):
        pltpu.make_async_copy(
            table_hbm.at[idx_v.at[group * _K + j]],
            buf.at[pl.ds(j * _CHUNK, _CHUNK)], sem).wait()

    def sync_out(group, buf):
      pltpu.sync_copy(
          buf,
          out_hbm.at[pl.ds(base + group * _GROUP, _GROUP), pl.ds(0, _D)])

    fire_gather(0, bufa, g0)

    def body(t, carry):
      a = 2 * t
      b = a + 1

      fire_gather(b, bufb, g1)
      drain_gather(a, bufa, g0)
      sync_out(a, bufa)

      @pl.when(t < _NIT - 1)
      def _():
        fire_gather(a + 2, bufa, g0)

      drain_gather(b, bufb, g1)
      sync_out(b, bufb)
      return carry

    lax.fori_loop(0, _NIT, body, 0)

  return k(weight, idx3)


def kernel(indices, weight):
  idx3 = indices.reshape(_NW, _NCHUNK, _CHUNK)
  out2 = _embed_gather(weight, idx3)
  return out2.reshape(_B, _H, 2 * _D)[:, :, :_D]

# --- scband reference (transcript-rebuilt; emitter-appended) ---
"""Pipeline reference for scband-t5-sentinel-embedder-67800353734786 (READ-ONLY COPY).

The authoritative reference and input builder live on the scoring server;
editing this copy changes nothing except your own understanding.
"""

import jax, jax.numpy as jnp
import numpy as np

VOCAB = 1000000
EMBED_DIM = 64
BATCH = 4096
HIST_LEN = 200


def setup_inputs(seed: int = 0) -> dict:
    key = jax.random.key(seed)
    k1, k2 = jax.random.split(key)
    indices = jax.random.randint(k1, (BATCH, HIST_LEN), 0, VOCAB, dtype=jnp.int32)
    weight = jax.random.normal(k2, (VOCAB, EMBED_DIM), dtype=jnp.float32) * 0.02
    return {"indices": indices, "weight": weight}


def reference(indices, weight):
    # T5SentinelEmbedder.forward: stores tokens, then calls the wrapped nn.Embedding.
    # The numerical computation is a pure embedding lookup (row gather).
    embed_tensor = jnp.take(weight, indices, axis=0)
    return embed_tensor

if __name__ == "__main__":
    import jax
    _d = setup_inputs()
    print(jax.jit(kernel)(*tuple(_d.values())))

</pallas_src>

<mosaic_0001>
#map = affine_map<(d0, d1) -> (0, 0)>
#map1 = affine_map<(d0, d1) -> (0, 0, 0)>
module attributes {stable_mosaic.version = 14 : i64} {
  func.func @k(%arg0: i32, %arg1: i32, %arg2: memref<1000000x64xf32, #tpu.memory_space<hbm>>, %arg3: memref<32x200x128xi32, #tpu.memory_space<hbm>>, %arg4: memref<819200x128xf32, #tpu.memory_space<hbm>>, %arg5: memref<200x128xi32, #tpu.memory_space<vmem>>, %arg6: memref<640x64xf32, #tpu.memory_space<vmem>>, %arg7: memref<640x64xf32, #tpu.memory_space<vmem>>, %arg8: memref<!tpu.dma_semaphore, #tpu.memory_space<semaphore_mem>>, %arg9: memref<!tpu.dma_semaphore, #tpu.memory_space<semaphore_mem>>) attributes {dimension_semantics = [#tpu.dimension_semantics<core_parallel>, #tpu.dimension_semantics<subcore_parallel>], iteration_bounds = array<i64: 2, 16>, scalar_prefetch = 0 : i64, scratch_operands = 5 : i64, tpu.core_type = #tpu.core_type<sc_vector_subcore>, window_params = [{transform_indices = #map}, {transform_indices = #map1}, {transform_indices = #map}]} {
    %mul3A = arith.constant 2 : i32
    %mul3A_0 = arith.muli %arg1, %mul3A : i32
    %add3A = arith.addi %mul3A_0, %arg0 : i32
    %mul3A_1 = arith.constant 25600 : i32
    %mul3A_2 = arith.muli %add3A, %mul3A_1 : i32
    "tpu.region"() ({
      %run_scoped3A = tpu.sem_alloc : memref<!tpu.dma_semaphore, #tpu.memory_space<semaphore_mem>>
      %dma_start3A_57 = arith.constant 0 : i32
      %dma_start3A_58 = arith.constant 0 : i32
      %dma_start3A_59 = tpu.memref_slice %arg3[%add3A, %dma_start3A_57, %dma_start3A_58] : memref<32x200x128xi32, #tpu.memory_space<hbm>> -> memref<1x200x128xi32, #tpu.memory_space<hbm>>
      %dma_start3A_60 = tpu.memref_squeeze %dma_start3A_59 : memref<1x200x128xi32, #tpu.memory_space<hbm>> -> memref<200x128xi32, #tpu.memory_space<hbm>>
      %dma_start3A_61 = arith.constant 0 : i32
      %dma_start3A_62 = arith.constant 0 : i32
      %dma_start3A_63 = tpu.memref_slice %arg3[%add3A, %dma_start3A_61, %dma_start3A_62] : memref<32x200x128xi32, #tpu.memory_space<hbm>> -> memref<1x200x128xi32, #tpu.memory_space<hbm>>
      %dma_start3A_64 = tpu.memref_squeeze %dma_start3A_63 : memref<1x200x128xi32, #tpu.memory_space<hbm>> -> memref<200x128xi32, #tpu.memory_space<hbm>>
      tpu.enqueue_dma source(%dma_start3A_64 : memref<200x128xi32, #tpu.memory_space<hbm>>) target(%arg5 : memref<200x128xi32, #tpu.memory_space<vmem>>) target_semaphore(%run_scoped3A : memref<!tpu.dma_semaphore, #tpu.memory_space<semaphore_mem>>)
      %dma_wait3A = arith.constant 0 : i32
      %dma_wait3A_65 = arith.constant 0 : i32
      %dma_wait3A_66 = tpu.memref_slice %arg3[%add3A, %dma_wait3A, %dma_wait3A_65] : memref<32x200x128xi32, #tpu.memory_space<hbm>> -> memref<1x200x128xi32, #tpu.memory_space<hbm>>
      %dma_wait3A_67 = tpu.memref_squeeze %dma_wait3A_66 : memref<1x200x128xi32, #tpu.memory_space<hbm>> -> memref<200x128xi32, #tpu.memory_space<hbm>>
      %dma_wait3A_68 = arith.constant 0 : i32
      %dma_wait3A_69 = arith.constant 0 : i32
      %dma_wait3A_70 = tpu.memref_slice %arg3[%add3A, %dma_wait3A_68, %dma_wait3A_69] : memref<32x200x128xi32, #tpu.memory_space<hbm>> -> memref<1x200x128xi32, #tpu.memory_space<hbm>>
      %dma_wait3A_71 = tpu.memref_squeeze %dma_wait3A_70 : memref<1x200x128xi32, #tpu.memory_space<hbm>> -> memref<200x128xi32, #tpu.memory_space<hbm>>
      tpu.wait_dma2 semaphore(%run_scoped3A : memref<!tpu.dma_semaphore, #tpu.memory_space<semaphore_mem>>) src(%dma_wait3A_71 : memref<200x128xi32, #tpu.memory_space<hbm>>) dst(%arg5 : memref<200x128xi32, #tpu.memory_space<vmem>>)
      tpu.yield
    }) : () -> ()
    %dma_start3A = arith.constant 0 : i32
    %dma_start3A_3 = arith.constant 0 : i32
    %dma_start3A_4 = arith.constant 0 : i32
    %dma_start3A_5 = tpu.memref_slice %arg6[%dma_start3A_3, %dma_start3A_4] : memref<640x64xf32, #tpu.memory_space<vmem>> -> memref<128x64xf32, #tpu.memory_space<vmem>>
    %dma_start3A_6 = arith.constant 0 : i32
    %dma_start3A_7 = tpu.memref_slice %arg5[%dma_start3A, %dma_start3A_6] : memref<200x128xi32, #tpu.memory_space<vmem>> -> memref<1x128xi32, #tpu.memory_space<vmem>>
    %dma_start3A_8 = tpu.memref_squeeze %dma_start3A_7 : memref<1x128xi32, #tpu.memory_space<vmem>> -> memref<128xi32, #tpu.memory_space<vmem>>
    %dma_start3A_9 = arith.constant 0 : i32
    %dma_start3A_10 = arith.constant 0 : i32
    %dma_start3A_11 = tpu.memref_slice %arg2[%dma_start3A_9, %dma_start3A_10] : memref<1000000x64xf32, #tpu.memory_space<hbm>> -> memref<1000000x64xf32, #tpu.memory_space<hbm>>
    tpu.enqueue_indirect_dma source(%dma_start3A_11 : memref<1000000x64xf32, #tpu.memory_space<hbm>>) target(%dma_start3A_5 : memref<128x64xf32, #tpu.memory_space<vmem>>) offsets(%dma_start3A_8 : memref<128xi32, #tpu.memory_space<vmem>>) semaphore(%arg8 : memref<!tpu.dma_semaphore, #tpu.memory_space<semaphore_mem>>)
    %dma_start3A_12 = arith.constant 1 : i32
    %dma_start3A_13 = arith.constant 128 : i32
    %dma_start3A_14 = arith.constant 0 : i32
    %dma_start3A_15 = tpu.memref_slice %arg6[%dma_start3A_13, %dma_start3A_14] : memref<640x64xf32, #tpu.memory_space<vmem>> -> memref<128x64xf32, #tpu.memory_space<vmem>>
    %dma_start3A_16 = arith.constant 0 : i32
    %dma_start3A_17 = tpu.memref_slice %arg5[%dma_start3A_12, %dma_start3A_16] : memref<200x128xi32, #tpu.memory_space<vmem>> -> memref<1x128xi32, #tpu.memory_space<vmem>>
    %dma_start3A_18 = tpu.memref_squeeze %dma_start3A_17 : memref<1x128xi32, #tpu.memory_space<vmem>> -> memref<128xi32, #tpu.memory_space<vmem>>
    %dma_start3A_19 = arith.constant 0 : i32
    %dma_start3A_20 = arith.constant 0 : i32
    %dma_start3A_21 = tpu.memref_slice %arg2[%dma_start3A_19, %dma_start3A_20] : memref<1000000x64xf32, #tpu.memory_space<hbm>> -> memref<1000000x64xf32, #tpu.memory_space<hbm>>
    tpu.enqueue_indirect_dma source(%dma_start3A_21 : memref<1000000x64xf32, #tpu.memory_space<hbm>>) target(%dma_start3A_15 : memref<128x64xf32, #tpu.memory_space<vmem>>) offsets(%dma_start3A_18 : memref<128xi32, #tpu.memory_space<vmem>>) semaphore(%arg8 : memref<!tpu.dma_semaphore, #tpu.memory_space<semaphore_mem>>)
    %dma_start3A_22 = arith.constant 2 : i32
    %dma_start3A_23 = arith.constant 256 : i32
    %dma_start3A_24 = arith.constant 0 : i32
    %dma_start3A_25 = tpu.memref_slice %arg6[%dma_start3A_23, %dma_start3A_24] : memref<640x64xf32, #tpu.memory_space<vmem>> -> memref<128x64xf32, #tpu.memory_space<vmem>>
    %dma_start3A_26 = arith.constant 0 : i32
    %dma_start3A_27 = tpu.memref_slice %arg5[%dma_start3A_22, %dma_start3A_26] : memref<200x128xi32, #tpu.memory_space<vmem>> -> memref<1x128xi32, #tpu.memory_space<vmem>>
    %dma_start3A_28 = tpu.memref_squeeze %dma_start3A_27 : memref<1x128xi32, #tpu.memory_space<vmem>> -> memref<128xi32, #tpu.memory_space<vmem>>
    %dma_start3A_29 = arith.constant 0 : i32
    %dma_start3A_30 = arith.constant 0 : i32
    %dma_start3A_31 = tpu.memref_slice %arg2[%dma_start3A_29, %dma_start3A_30] : memref<1000000x64xf32, #tpu.memory_space<hbm>> -> memref<1000000x64xf32, #tpu.memory_space<hbm>>
    tpu.enqueue_indirect_dma source(%dma_start3A_31 : memref<1000000x64xf32, #tpu.memory_space<hbm>>) target(%dma_start3A_25 : memref<128x64xf32, #tpu.memory_space<vmem>>) offsets(%dma_start3A_28 : memref<128xi32, #tpu.memory_space<vmem>>) semaphore(%arg8 : memref<!tpu.dma_semaphore, #tpu.memory_space<semaphore_mem>>)
    %dma_start3A_32 = arith.constant 3 : i32
    %dma_start3A_33 = arith.constant 384 : i32
    %dma_start3A_34 = arith.constant 0 : i32
    %dma_start3A_35 = tpu.memref_slice %arg6[%dma_start3A_33, %dma_start3A_34] : memref<640x64xf32, #tpu.memory_space<vmem>> -> memref<128x64xf32, #tpu.memory_space<vmem>>
    %dma_start3A_36 = arith.constant 0 : i32
    %dma_start3A_37 = tpu.memref_slice %arg5[%dma_start3A_32, %dma_start3A_36] : memref<200x128xi32, #tpu.memory_space<vmem>> -> memref<1x128xi32, #tpu.memory_space<vmem>>
    %dma_start3A_38 = tpu.memref_squeeze %dma_start3A_37 : memref<1x128xi32, #tpu.memory_space<vmem>> -> memref<128xi32, #tpu.memory_space<vmem>>
    %dma_start3A_39 = arith.constant 0 : i32
    %dma_start3A_40 = arith.constant 0 : i32
    %dma_start3A_41 = tpu.memref_slice %arg2[%dma_start3A_39, %dma_start3A_40] : memref<1000000x64xf32, #tpu.memory_space<hbm>> -> memref<1000000x64xf32, #tpu.memory_space<hbm>>
    tpu.enqueue_indirect_dma source(%dma_start3A_41 : memref<1000000x64xf32, #tpu.memory_space<hbm>>) target(%dma_start3A_35 : memref<128x64xf32, #tpu.memory_space<vmem>>) offsets(%dma_start3A_38 : memref<128xi32, #tpu.memory_space<vmem>>) semaphore(%arg8 : memref<!tpu.dma_semaphore, #tpu.memory_space<semaphore_mem>>)
    %dma_start3A_42 = arith.constant 4 : i32
    %dma_start3A_43 = arith.constant 512 : i32
    %dma_start3A_44 = arith.constant 0 : i32
    %dma_start3A_45 = tpu.memref_slice %arg6[%dma_start3A_43, %dma_start3A_44] : memref<640x64xf32, #tpu.memory_space<vmem>> -> memref<128x64xf32, #tpu.memory_space<vmem>>
    %dma_start3A_46 = arith.constant 0 : i32
    %dma_start3A_47 = tpu.memref_slice %arg5[%dma_start3A_42, %dma_start3A_46] : memref<200x128xi32, #tpu.memory_space<vmem>> -> memref<1x128xi32, #tpu.memory_space<vmem>>
    %dma_start3A_48 = tpu.memref_squeeze %dma_start3A_47 : memref<1x128xi32, #tpu.memory_space<vmem>> -> memref<128xi32, #tpu.memory_space<vmem>>
    %dma_start3A_49 = arith.constant 0 : i32
    %dma_start3A_50 = arith.constant 0 : i32
    %dma_start3A_51 = tpu.memref_slice %arg2[%dma_start3A_49, %dma_start3A_50] : memref<1000000x64xf32, #tpu.memory_space<hbm>> -> memref<1000000x64xf32, #tpu.memory_space<hbm>>
    tpu.enqueue_indirect_dma source(%dma_start3A_51 : memref<1000000x64xf32, #tpu.memory_space<hbm>>) target(%dma_start3A_45 : memref<128x64xf32, #tpu.memory_space<vmem>>) offsets(%dma_start3A_48 : memref<128xi32, #tpu.memory_space<vmem>>) semaphore(%arg8 : memref<!tpu.dma_semaphore, #tpu.memory_space<semaphore_mem>>)
    %scan3A = arith.constant 0 : i32
    %scan3A_52 = arith.constant 0 : i32
    %scan3A_53 = arith.constant 20 : i32
    %scan3A_54 = arith.addi %scan3A_52, %scan3A_53 : i32
    %scan3A_55 = arith.constant 1 : i32
    scf.for %scan3A_57 = %scan3A_52 to %scan3A_54 step %scan3A_55  : i32 {
      %mul3A_58 = arith.constant 2 : i32
      %mul3A_59 = arith.muli %mul3A_58, %scan3A_57 : i32
      %add3A_60 = arith.constant 1 : i32
      %add3A_61 = arith.addi %mul3A_59, %add3A_60 : i32
      %mul3A_62 = arith.constant 5 : i32
      %mul3A_63 = arith.muli %add3A_61, %mul3A_62 : i32
      %add3A_64 = arith.constant 0 : i32
      %add3A_65 = arith.addi %mul3A_63, %add3A_64 : i32
      %dma_start3A_66 = arith.constant 0 : i32
      %dma_start3A_67 = arith.constant 0 : i32
      %dma_start3A_68 = tpu.memref_slice %arg7[%dma_start3A_66, %dma_start3A_67] : memref<640x64xf32, #tpu.memory_space<vmem>> -> memref<128x64xf32, #tpu.memory_space<vmem>>
      %dma_start3A_69 = arith.constant 0 : i32
      %dma_start3A_70 = tpu.memref_slice %arg5[%add3A_65, %dma_start3A_69] : memref<200x128xi32, #tpu.memory_space<vmem>> -> memref<1x128xi32, #tpu.memory_space<vmem>>
      %dma_start3A_71 = tpu.memref_squeeze %dma_start3A_70 : memref<1x128xi32, #tpu.memory_space<vmem>> -> memref<128xi32, #tpu.memory_space<vmem>>
      %dma_start3A_72 = arith.constant 0 : i32
      %dma_start3A_73 = arith.constant 0 : i32
      %dma_start3A_74 = tpu.memref_slice %arg2[%dma_start3A_72, %dma_start3A_73] : memref<1000000x64xf32, #tpu.memory_space<hbm>> -> memref<1000000x64xf32, #tpu.memory_space<hbm>>
      tpu.enqueue_indirect_dma source(%dma_start3A_74 : memref<1000000x64xf32, #tpu.memory_space<hbm>>) target(%dma_start3A_68 : memref<128x64xf32, #tpu.memory_space<vmem>>) offsets(%dma_start3A_71 : memref<128xi32, #tpu.memory_space<vmem>>) semaphore(%arg9 : memref<!tpu.dma_semaphore, #tpu.memory_space<semaphore_mem>>)
      %mul3A_75 = arith.constant 5 : i32
      %mul3A_76 = arith.muli %add3A_61, %mul3A_75 : i32
      %add3A_77 = arith.constant 1 : i32
      %add3A_78 = arith.addi %mul3A_76, %add3A_77 : i32
      %dma_start3A_79 = arith.constant 128 : i32
      %dma_start3A_80 = arith.constant 0 : i32
      %dma_start3A_81 = tpu.memref_slice %arg7[%dma_start3A_79, %dma_start3A_80] : memref<640x64xf32, #tpu.memory_space<vmem>> -> memref<128x64xf32, #tpu.memory_space<vmem>>
      %dma_start3A_82 = arith.constant 0 : i32
      %dma_start3A_83 = tpu.memref_slice %arg5[%add3A_78, %dma_start3A_82] : memref<200x128xi32, #tpu.memory_space<vmem>> -> memref<1x128xi32, #tpu.memory_space<vmem>>
      %dma_start3A_84 = tpu.memref_squeeze %dma_start3A_83 : memref<1x128xi32, #tpu.memory_space<vmem>> -> memref<128xi32, #tpu.memory_space<vmem>>
      %dma_start3A_85 = arith.constant 0 : i32
      %dma_start3A_86 = arith.constant 0 : i32
      %dma_start3A_87 = tpu.memref_slice %arg2[%dma_start3A_85, %dma_start3A_86] : memref<1000000x64xf32, #tpu.memory_space<hbm>> -> memref<1000000x64xf32, #tpu.memory_space<hbm>>
      tpu.enqueue_indirect_dma source(%dma_start3A_87 : memref<1000000x64xf32, #tpu.memory_space<hbm>>) target(%dma_start3A_81 : memref<128x64xf32, #tpu.memory_space<vmem>>) offsets(%dma_start3A_84 : memref<128xi32, #tpu.memory_space<vmem>>) semaphore(%arg9 : memref<!tpu.dma_semaphore, #tpu.memory_space<semaphore_mem>>)
      %mul3A_88 = arith.constant 5 : i32
      %mul3A_89 = arith.muli %add3A_61, %mul3A_88 : i32
      %add3A_90 = arith.constant 2 : i32
      %add3A_91 = arith.addi %mul3A_89, %add3A_90 : i32
      %dma_start3A_92 = arith.constant 256 : i32
      %dma_start3A_93 = arith.constant 0 : i32
      %dma_start3A_94 = tpu.memref_slice %arg7[%dma_start3A_92, %dma_start3A_93] : memref<640x64xf32, #tpu.memory_space<vmem>> -> memref<128x64xf32, #tpu.memory_space<vmem>>
      %dma_start3A_95 = arith.constant 0 : i32
      %dma_start3A_96 = tpu.memref_slice %arg5[%add3A_91, %dma_start3A_95] : memref<200x128xi32, #tpu.memory_space<vmem>> -> memref<1x128xi32, #tpu.memory_space<vmem>>
      %dma_start3A_97 = tpu.memref_squeeze %dma_start3A_96 : memref<1x128xi32, #tpu.memory_space<vmem>> -> memref<128xi32, #tpu.memory_space<vmem>>
      %dma_start3A_98 = arith.constant 0 : i32
      %dma_start3A_99 = arith.constant 0 : i32
      %dma_start3A_100 = tpu.memref_slice %arg2[%dma_start3A_98, %dma_start3A_99] : memref<1000000x64xf32, #tpu.memory_space<hbm>> -> memref<1000000x64xf32, #tpu.memory_space<hbm>>
      tpu.enqueue_indirect_dma source(%dma_start3A_100 : memref<1000000x64xf32, #tpu.memory_space<hbm>>) target(%dma_start3A_94 : memref<128x64xf32, #tpu.memory_space<vmem>>) offsets(%dma_start3A_97 : memref<128xi32, #tpu.memory_space<vmem>>) semaphore(%arg9 : memref<!tpu.dma_semaphore, #tpu.memory_space<semaphore_mem>>)
      %mul3A_101 = arith.constant 5 : i32
      %mul3A_102 = arith.muli %add3A_61, %mul3A_101 : i32
      %add3A_103 = arith.constant 3 : i32
      %add3A_104 = arith.addi %mul3A_102, %add3A_103 : i32
      %dma_start3A_105 = arith.constant 384 : i32
      %dma_start3A_106 = arith.constant 0 : i32
      %dma_start3A_107 = tpu.memref_slice %arg7[%dma_start3A_105, %dma_start3A_106] : memref<640x64xf32, #tpu.memory_space<vmem>> -> memref<128x64xf32, #tpu.memory_space<vmem>>
      %dma_start3A_108 = arith.constant 0 : i32
      %dma_start3A_109 = tpu.memref_slice %arg5[%add3A_104, %dma_start3A_108] : memref<200x128xi32, #tpu.memory_space<vmem>> -> memref<1x128xi32, #tpu.memory_space<vmem>>
      %dma_start3A_110 = tpu.memref_squeeze %dma_start3A_109 : memref<1x128xi32, #tpu.memory_space<vmem>> -> memref<128xi32, #tpu.memory_space<vmem>>
      %dma_start3A_111 = arith.constant 0 : i32
      %dma_start3A_112 = arith.constant 0 : i32
      %dma_start3A_113 = tpu.memref_slice %arg2[%dma_start3A_111, %dma_start3A_112] : memref<1000000x64xf32, #tpu.memory_space<hbm>> -> memref<1000000x64xf32, #tpu.memory_space<hbm>>
      tpu.enqueue_indirect_dma source(%dma_start3A_113 : memref<1000000x64xf32, #tpu.memory_space<hbm>>) target(%dma_start3A_107 : memref<128x64xf32, #tpu.memory_space<vmem>>) offsets(%dma_start3A_110 : memref<128xi32, #tpu.memory_space<vmem>>) semaphore(%arg9 : memref<!tpu.dma_semaphore, #tpu.memory_space<semaphore_mem>>)
      %mul3A_114 = arith.constant 5 : i32
      %mul3A_115 = arith.muli %add3A_61, %mul3A_114 : i32
      %add3A_116 = arith.constant 4 : i32
      %add3A_117 = arith.addi %mul3A_115, %add3A_116 : i32
      %dma_start3A_118 = arith.constant 512 : i32
      %dma_start3A_119 = arith.constant 0 : i32
      %dma_start3A_120 = tpu.memref_slice %arg7[%dma_start3A_118, %dma_start3A_119] : memref<640x64xf32, #tpu.memory_space<vmem>> -> memref<128x64xf32, #tpu.memory_space<vmem>>
      %dma_start3A_121 = arith.constant 0 : i32
      %dma_start3A_122 = tpu.memref_slice %arg5[%add3A_117, %dma_start3A_121] : memref<200x128xi32, #tpu.memory_space<vmem>> -> memref<1x128xi32, #tpu.memory_space<vmem>>
      %dma_start3A_123 = tpu.memref_squeeze %dma_start3A_122 : memref<1x128xi32, #tpu.memory_space<vmem>> -> memref<128xi32, #tpu.memory_space<vmem>>
      %dma_start3A_124 = arith.constant 0 : i32
      %dma_start3A_125 = arith.constant 0 : i32
      %dma_start3A_126 = tpu.memref_slice %arg2[%dma_start3A_124, %dma_start3A_125] : memref<1000000x64xf32, #tpu.memory_space<hbm>> -> memref<1000000x64xf32, #tpu.memory_space<hbm>>
      tpu.enqueue_indirect_dma source(%dma_start3A_126 : memref<1000000x64xf32, #tpu.memory_space<hbm>>) target(%dma_start3A_120 : memref<128x64xf32, #tpu.memory_space<vmem>>) offsets(%dma_start3A_123 : memref<128xi32, #tpu.memory_space<vmem>>) semaphore(%arg9 : memref<!tpu.dma_semaphore, #tpu.memory_space<semaphore_mem>>)
      %mul3A_127 = arith.constant 5 : i32
      %mul3A_128 = arith.muli %mul3A_59, %mul3A_127 : i32
      %add3A_129 = arith.constant 0 : i32
      %add3A_130 = arith.addi %mul3A_128, %add3A_129 : i32
      %dma_wait3A = arith.constant 0 : i32
      %dma_wait3A_131 = arith.constant 0 : i32
      %dma_wait3A_132 = tpu.memref_slice %arg6[%dma_wait3A, %dma_wait3A_131] : memref<640x64xf32, #tpu.memory_space<vmem>> -> memref<128x64xf32, #tpu.memory_space<vmem>>
      %dma_wait3A_133 = arith.constant 0 : i32
      %dma_wait3A_134 = tpu.memref_slice %arg5[%add3A_130, %dma_wait3A_133] : memref<200x128xi32, #tpu.memory_space<vmem>> -> memref<1x128xi32, #tpu.memory_space<vmem>>
      %dma_wait3A_135 = tpu.memref_squeeze %dma_wait3A_134 : memref<1x128xi32, #tpu.memory_space<vmem>> -> memref<128xi32, #tpu.memory_space<vmem>>
      %dma_wait3A_136 = arith.constant 0 : i32
      %dma_wait3A_137 = arith.constant 0 : i32
      %dma_wait3A_138 = tpu.memref_slice %arg2[%dma_wait3A_136, %dma_wait3A_137] : memref<1000000x64xf32, #tpu.memory_space<hbm>> -> memref<1000000x64xf32, #tpu.memory_space<hbm>>
      tpu.wait_indirect_dma semaphore(%arg8 : memref<!tpu.dma_semaphore, #tpu.memory_space<semaphore_mem>>) src(%dma_wait3A_138 : memref<1000000x64xf32, #tpu.memory_space<hbm>>) dst(%dma_wait3A_132 : memref<128x64xf32, #tpu.memory_space<vmem>>)
      %mul3A_139 = arith.constant 5 : i32
      %mul3A_140 = arith.muli %mul3A_59, %mul3A_139 : i32
      %add3A_141 = arith.constant 1 : i32
      %add3A_142 = arith.addi %mul3A_140, %add3A_141 : i32
      %dma_wait3A_143 = arith.constant 128 : i32
      %dma_wait3A_144 = arith.constant 0 : i32
      %dma_wait3A_145 = tpu.memref_slice %arg6[%dma_wait3A_143, %dma_wait3A_144] : memref<640x64xf32, #tpu.memory_space<vmem>> -> memref<128x64xf32, #tpu.memory_space<vmem>>
      %dma_wait3A_146 = arith.constant 0 : i32
      %dma_wait3A_147 = tpu.memref_slice %arg5[%add3A_142, %dma_wait3A_146] : memref<200x128xi32, #tpu.memory_space<vmem>> -> memref<1x128xi32, #tpu.memory_space<vmem>>
      %dma_wait3A_148 = tpu.memref_squeeze %dma_wait3A_147 : memref<1x128xi32, #tpu.memory_space<vmem>> -> memref<128xi32, #tpu.memory_space<vmem>>
      %dma_wait3A_149 = arith.constant 0 : i32
      %dma_wait3A_150 = arith.constant 0 : i32
      %dma_wait3A_151 = tpu.memref_slice %arg2[%dma_wait3A_149, %dma_wait3A_150] : memref<1000000x64xf32, #tpu.memory_space<hbm>> -> memref<1000000x64xf32, #tpu.memory_space<hbm>>
      tpu.wait_indirect_dma semaphore(%arg8 : memref<!tpu.dma_semaphore, #tpu.memory_space<semaphore_mem>>) src(%dma_wait3A_151 : memref<1000000x64xf32, #tpu.memory_space<hbm>>) dst(%dma_wait3A_145 : memref<128x64xf32, #tpu.memory_space<vmem>>)
      %mul3A_152 = arith.constant 5 : i32
      %mul3A_153 = arith.muli %mul3A_59, %mul3A_152 : i32
      %add3A_154 = arith.constant 2 : i32
      %add3A_155 = arith.addi %mul3A_153, %add3A_154 : i32
      %dma_wait3A_156 = arith.constant 256 : i32
      %dma_wait3A_157 = arith.constant 0 : i32
      %dma_wait3A_158 = tpu.memref_slice %arg6[%dma_wait3A_156, %dma_wait3A_157] : memref<640x64xf32, #tpu.memory_space<vmem>> -> memref<128x64xf32, #tpu.memory_space<vmem>>
      %dma_wait3A_159 = arith.constant 0 : i32
      %dma_wait3A_160 = tpu.memref_slice %arg5[%add3A_155, %dma_wait3A_159] : memref<200x128xi32, #tpu.memory_space<vmem>> -> memref<1x128xi32, #tpu.memory_space<vmem>>
      %dma_wait3A_161 = tpu.memref_squeeze %dma_wait3A_160 : memref<1x128xi32, #tpu.memory_space<vmem>> -> memref<128xi32, #tpu.memory_space<vmem>>
      %dma_wait3A_162 = arith.constant 0 : i32
      %dma_wait3A_163 = arith.constant 0 : i32
      %dma_wait3A_164 = tpu.memref_slice %arg2[%dma_wait3A_162, %dma_wait3A_163] : memref<1000000x64xf32, #tpu.memory_space<hbm>> -> memref<1000000x64xf32, #tpu.memory_space<hbm>>
      tpu.wait_indirect_dma semaphore(%arg8 : memref<!tpu.dma_semaphore, #tpu.memory_space<semaphore_mem>>) src(%dma_wait3A_164 : memref<1000000x64xf32, #tpu.memory_space<hbm>>) dst(%dma_wait3A_158 : memref<128x64xf32, #tpu.memory_space<vmem>>)
      %mul3A_165 = arith.constant 5 : i32
      %mul3A_166 = arith.muli %mul3A_59, %mul3A_165 : i32
      %add3A_167 = arith.constant 3 : i32
      %add3A_168 = arith.addi %mul3A_166, %add3A_167 : i32
      %dma_wait3A_169 = arith.constant 384 : i32
      %dma_wait3A_170 = arith.constant 0 : i32
      %dma_wait3A_171 = tpu.memref_slice %arg6[%dma_wait3A_169, %dma_wait3A_170] : memref<640x64xf32, #tpu.memory_space<vmem>> -> memref<128x64xf32, #tpu.memory_space<vmem>>
      %dma_wait3A_172 = arith.constant 0 : i32
      %dma_wait3A_173 = tpu.memref_slice %arg5[%add3A_168, %dma_wait3A_172] : memref<200x128xi32, #tpu.memory_space<vmem>> -> memref<1x128xi32, #tpu.memory_space<vmem>>
      %dma_wait3A_174 = tpu.memref_squeeze %dma_wait3A_173 : memref<1x128xi32, #tpu.memory_space<vmem>> -> memref<128xi32, #tpu.memory_space<vmem>>
      %dma_wait3A_175 = arith.constant 0 : i32
      %dma_wait3A_176 = arith.constant 0 : i32
      %dma_wait3A_177 = tpu.memref_slice %arg2[%dma_wait3A_175, %dma_wait3A_176] : memref<1000000x64xf32, #tpu.memory_space<hbm>> -> memref<1000000x64xf32, #tpu.memory_space<hbm>>
      tpu.wait_indirect_dma semaphore(%arg8 : memref<!tpu.dma_semaphore, #tpu.memory_space<semaphore_mem>>) src(%dma_wait3A_177 : memref<1000000x64xf32, #tpu.memory_space<hbm>>) dst(%dma_wait3A_171 : memref<128x64xf32, #tpu.memory_space<vmem>>)
      %mul3A_178 = arith.constant 5 : i32
      %mul3A_179 = arith.muli %mul3A_59, %mul3A_178 : i32
      %add3A_180 = arith.constant 4 : i32
      %add3A_181 = arith.addi %mul3A_179, %add3A_180 : i32
      %dma_wait3A_182 = arith.constant 512 : i32
      %dma_wait3A_183 = arith.constant 0 : i32
      %dma_wait3A_184 = tpu.memref_slice %arg6[%dma_wait3A_182, %dma_wait3A_183] : memref<640x64xf32, #tpu.memory_space<vmem>> -> memref<128x64xf32, #tpu.memory_space<vmem>>
      %dma_wait3A_185 = arith.constant 0 : i32
      %dma_wait3A_186 = tpu.memref_slice %arg5[%add3A_181, %dma_wait3A_185] : memref<200x128xi32, #tpu.memory_space<vmem>> -> memref<1x128xi32, #tpu.memory_space<vmem>>
      %dma_wait3A_187 = tpu.memref_squeeze %dma_wait3A_186 : memref<1x128xi32, #tpu.memory_space<vmem>> -> memref<128xi32, #tpu.memory_space<vmem>>
      %dma_wait3A_188 = arith.constant 0 : i32
      %dma_wait3A_189 = arith.constant 0 : i32
      %dma_wait3A_190 = tpu.memref_slice %arg2[%dma_wait3A_188, %dma_wait3A_189] : memref<1000000x64xf32, #tpu.memory_space<hbm>> -> memref<1000000x64xf32, #tpu.memory_space<hbm>>
      tpu.wait_indirect_dma semaphore(%arg8 : memref<!tpu.dma_semaphore, #tpu.memory_space<semaphore_mem>>) src(%dma_wait3A_190 : memref<1000000x64xf32, #tpu.memory_space<hbm>>) dst(%dma_wait3A_184 : memref<128x64xf32, #tpu.memory_space<vmem>>)
      %mul3A_191 = arith.constant 640 : i32
      %mul3A_192 = arith.muli %mul3A_59, %mul3A_191 : i32
      %add3A_193 = arith.addi %mul3A_2, %mul3A_192 : i32
      "tpu.region"() ({
        %run_scoped3A = tpu.sem_alloc : memref<!tpu.dma_semaphore, #tpu.memory_space<semaphore_mem>>
        %dma_start3A_264 = arith.constant 0 : i32
        %dma_start3A_265 = tpu.memref_slice %arg4[%add3A_193, %dma_start3A_264] : memref<819200x128xf32, #tpu.memory_space<hbm>> -> memref<640x64xf32, #tpu.memory_space<hbm>>
        %dma_start3A_266 = arith.constant 0 : i32
        %dma_start3A_267 = tpu.memref_slice %arg4[%add3A_193, %dma_start3A_266] : memref<819200x128xf32, #tpu.memory_space<hbm>> -> memref<640x64xf32, #tpu.memory_space<hbm>>
        tpu.enqueue_dma source(%arg6 : memref<640x64xf32, #tpu.memory_space<vmem>>) target(%dma_start3A_267 : memref<640x64xf32, #tpu.memory_space<hbm>>) target_semaphore(%run_scoped3A : memref<!tpu.dma_semaphore, #tpu.memory_space<semaphore_mem>>)
        %dma_wait3A_268 = arith.constant 0 : i32
        %dma_wait3A_269 = tpu.memref_slice %arg4[%add3A_193, %dma_wait3A_268] : memref<819200x128xf32, #tpu.memory_space<hbm>> -> memref<640x64xf32, #tpu.memory_space<hbm>>
        %dma_wait3A_270 = arith.constant 0 : i32
        %dma_wait3A_271 = tpu.memref_slice %arg4[%add3A_193, %dma_wait3A_270] : memref<819200x128xf32, #tpu.memory_space<hbm>> -> memref<640x64xf32, #tpu.memory_space<hbm>>
        tpu.wait_dma2 semaphore(%run_scoped3A : memref<!tpu.dma_semaphore, #tpu.memory_space<semaphore_mem>>) src(%arg6 : memref<640x64xf32, #tpu.memory_space<vmem>>) dst(%dma_wait3A_271 : memref<640x64xf32, #tpu.memory_space<hbm>>)
        tpu.yield
      }) : () -> ()
      %lt3A = arith.constant 19 : i32
      %lt3A_194 = arith.cmpi slt, %scan3A_57, %lt3A : i32
      %convert_element_type3A = arith.extui %lt3A_194 : i1 to i32
      %cond3A = arith.constant 0 : i32
      %cond3A_195 = arith.cmpi ne, %convert_element_type3A, %cond3A : i32
      scf.if %cond3A_195 {
        %add3A_264 = arith.constant 2 : i32
        %add3A_265 = arith.addi %mul3A_59, %add3A_264 : i32
        %mul3A_266 = arith.constant 5 : i32
        %mul3A_267 = arith.muli %add3A_265, %mul3A_266 : i32
        %add3A_268 = arith.constant 0 : i32
        %add3A_269 = arith.addi %mul3A_267, %add3A_268 : i32
        %dma_start3A_270 = arith.constant 0 : i32
        %dma_start3A_271 = arith.constant 0 : i32
        %dma_start3A_272 = tpu.memref_slice %arg6[%dma_start3A_270, %dma_start3A_271] : memref<640x64xf32, #tpu.memory_space<vmem>> -> memref<128x64xf32, #tpu.memory_space<vmem>>
        %dma_start3A_273 = arith.constant 0 : i32
        %dma_start3A_274 = tpu.memref_slice %arg5[%add3A_269, %dma_start3A_273] : memref<200x128xi32, #tpu.memory_space<vmem>> -> memref<1x128xi32, #tpu.memory_space<vmem>>
        %dma_start3A_275 = tpu.memref_squeeze %dma_start3A_274 : memref<1x128xi32, #tpu.memory_space<vmem>> -> memref<128xi32, #tpu.memory_space<vmem>>
        %dma_start3A_276 = arith.constant 0 : i32
        %dma_start3A_277 = arith.constant 0 : i32
        %dma_start3A_278 = tpu.memref_slice %arg2[%dma_start3A_276, %dma_start3A_277] : memref<1000000x64xf32, #tpu.memory_space<hbm>> -> memref<1000000x64xf32, #tpu.memory_space<hbm>>
        tpu.enqueue_indirect_dma source(%dma_start3A_278 : memref<1000000x64xf32, #tpu.memory_space<hbm>>) target(%dma_start3A_272 : memref<128x64xf32, #tpu.memory_space<vmem>>) offsets(%dma_start3A_275 : memref<128xi32, #tpu.memory_space<vmem>>) semaphore(%arg8 : memref<!tpu.dma_semaphore, #tpu.memory_space<semaphore_mem>>)
        %mul3A_279 = arith.constant 5 : i32
        %mul3A_280 = arith.muli %add3A_265, %mul3A_279 : i32
        %add3A_281 = arith.constant 1 : i32
        %add3A_282 = arith.addi %mul3A_280, %add3A_281 : i32
        %dma_start3A_283 = arith.constant 128 : i32
        %dma_start3A_284 = arith.constant 0 : i32
        %dma_start3A_285 = tpu.memref_slice %arg6[%dma_start3A_283, %dma_start3A_284] : memref<640x64xf32, #tpu.memory_space<vmem>> -> memref<128x64xf32, #tpu.memory_space<vmem>>
        %dma_start3A_286 = arith.constant 0 : i32
        %dma_start3A_287 = tpu.memref_slice %arg5[%add3A_282, %dma_start3A_286] : memref<200x128xi32, #tpu.memory_space<vmem>> -> memref<1x128xi32, #tpu.memory_space<vmem>>
        %dma_start3A_288 = tpu.memref_squeeze %dma_start3A_287 : memref<1x128xi32, #tpu.memory_space<vmem>> -> memref<128xi32, #tpu.memory_space<vmem>>
        %dma_start3A_289 = arith.constant 0 : i32
        %dma_start3A_290 = arith.constant 0 : i32
        %dma_start3A_291 = tpu.memref_slice %arg2[%dma_start3A_289, %dma_start3A_290] : memref<1000000x64xf32, #tpu.memory_space<hbm>> -> memref<1000000x64xf32, #tpu.memory_space<hbm>>
        tpu.enqueue_indirect_dma source(%dma_start3A_291 : memref<1000000x64xf32, #tpu.memory_space<hbm>>) target(%dma_start3A_285 : memref<128x64xf32, #tpu.memory_space<vmem>>) offsets(%dma_start3A_288 : memref<128xi32, #tpu.memory_space<vmem>>) semaphore(%arg8 : memref<!tpu.dma_semaphore, #tpu.memory_space<semaphore_mem>>)
        %mul3A_292 = arith.constant 5 : i32
        %mul3A_293 = arith.muli %add3A_265, %mul3A_292 : i32
        %add3A_294 = arith.constant 2 : i32
        %add3A_295 = arith.addi %mul3A_293, %add3A_294 : i32
        %dma_start3A_296 = arith.constant 256 : i32
        %dma_start3A_297 = arith.constant 0 : i32
        %dma_start3A_298 = tpu.memref_slice %arg6[%dma_start3A_296, %dma_start3A_297] : memref<640x64xf32, #tpu.memory_space<vmem>> -> memref<128x64xf32, #tpu.memory_space<vmem>>
        %dma_start3A_299 = arith.constant 0 : i32
        %dma_start3A_300 = tpu.memref_slice %arg5[%add3A_295, %dma_start3A_299] : memref<200x128xi32, #tpu.memory_space<vmem>> -> memref<1x128xi32, #tpu.memory_space<vmem>>
        %dma_start3A_301 = tpu.memref_squeeze %dma_start3A_300 : memref<1x128xi32, #tpu.memory_space<vmem>> -> memref<128xi32, #tpu.memory_space<vmem>>
        %dma_start3A_302 = arith.constant 0 : i32
        %dma_start3A_303 = arith.constant 0 : i32
        %dma_start3A_304 = tpu.memref_slice %arg2[%dma_start3A_302, %dma_start3A_303] : memref<1000000x64xf32, #tpu.memory_space<hbm>> -> memref<1000000x64xf32, #tpu.memory_space<hbm>>
        tpu.enqueue_indirect_dma source(%dma_start3A_304 : memref<1000000x64xf32, #tpu.memory_space<hbm>>) target(%dma_start3A_298 : memref<128x64xf32, #tpu.memory_space<vmem>>) offsets(%dma_start3A_301 : memref<128xi32, #tpu.memory_space<vmem>>) semaphore(%arg8 : memref<!tpu.dma_semaphore, #tpu.memory_space<semaphore_mem>>)
        %mul3A_305 = arith.constant 5 : i32
        %mul3A_306 = arith.muli %add3A_265, %mul3A_305 : i32
        %add3A_307 = arith.constant 3 : i32
        %add3A_308 = arith.addi %mul3A_306, %add3A_307 : i32
        %dma_start3A_309 = arith.constant 384 : i32
        %dma_start3A_310 = arith.constant 0 : i32
        %dma_start3A_311 = tpu.memref_slice %arg6[%dma_start3A_309, %dma_start3A_310] : memref<640x64xf32, #tpu.memory_space<vmem>> -> memref<128x64xf32, #tpu.memory_space<vmem>>
        %dma_start3A_312 = arith.constant 0 : i32
        %dma_start3A_313 = tpu.memref_slice %arg5[%add3A_308, %dma_start3A_312] : memref<200x128xi32, #tpu.memory_space<vmem>> -> memref<1x128xi32, #tpu.memory_space<vmem>>
        %dma_start3A_314 = tpu.memref_squeeze %dma_start3A_313 : memref<1x128xi32, #tpu.memory_space<vmem>> -> memref<128xi32, #tpu.memory_space<vmem>>
        %dma_start3A_315 = arith.constant 0 : i32
        %dma_start3A_316 = arith.constant 0 : i32
        %dma_start3A_317 = tpu.memref_slice %arg2[%dma_start3A_315, %dma_start3A_316] : memref<1000000x64xf32, #tpu.memory_space<hbm>> -> memref<1000000x64xf32, #tpu.memory_space<hbm>>
        tpu.enqueue_indirect_dma source(%dma_start3A_317 : memref<1000000x64xf32, #tpu.memory_space<hbm>>) target(%dma_start3A_311 : memref<128x64xf32, #tpu.memory_space<vmem>>) offsets(%dma_start3A_314 : memref<128xi32, #tpu.memory_space<vmem>>) semaphore(%arg8 : memref<!tpu.dma_semaphore, #tpu.memory_space<semaphore_mem>>)
        %mul3A_318 = arith.constant 5 : i32
        %mul3A_319 = arith.muli %add3A_265, %mul3A_318 : i32
        %add3A_320 = arith.constant 4 : i32
        %add3A_321 = arith.addi %mul3A_319, %add3A_320 : i32
        %dma_start3A_322 = arith.constant 512 : i32
        %dma_start3A_323 = arith.constant 0 : i32
        %dma_start3A_324 = tpu.memref_slice %arg6[%dma_start3A_322, %dma_start3A_323] : memref<640x64xf32, #tpu.memory_space<vmem>> -> memref<128x64xf32, #tpu.memory_space<vmem>>
        %dma_start3A_325 = arith.constant 0 : i32
        %dma_start3A_326 = tpu.memref_slice %arg5[%add3A_321, %dma_start3A_325] : memref<200x128xi32, #tpu.memory_space<vmem>> -> memref<1x128xi32, #tpu.memory_space<vmem>>
        %dma_start3A_327 = tpu.memref_squeeze %dma_start3A_326 : memref<1x128xi32, #tpu.memory_space<vmem>> -> memref<128xi32, #tpu.memory_space<vmem>>
        %dma_start3A_328 = arith.constant 0 : i32
        %dma_start3A_329 = arith.constant 0 : i32
        %dma_start3A_330 = tpu.memref_slice %arg2[%dma_start3A_328, %dma_start3A_329] : memref<1000000x64xf32, #tpu.memory_space<hbm>> -> memref<1000000x64xf32, #tpu.memory_space<hbm>>
        tpu.enqueue_indirect_dma source(%dma_start3A_330 : memref<1000000x64xf32, #tpu.memory_space<hbm>>) target(%dma_start3A_324 : memref<128x64xf32, #tpu.memory_space<vmem>>) offsets(%dma_start3A_327 : memref<128xi32, #tpu.memory_space<vmem>>) semaphore(%arg8 : memref<!tpu.dma_semaphore, #tpu.memory_space<semaphore_mem>>)
      } else {
      }
      %mul3A_196 = arith.constant 5 : i32
      %mul3A_197 = arith.muli %add3A_61, %mul3A_196 : i32
      %add3A_198 = arith.constant 0 : i32
      %add3A_199 = arith.addi %mul3A_197, %add3A_198 : i32
      %dma_wait3A_200 = arith.constant 0 : i32
      %dma_wait3A_201 = arith.constant 0 : i32
      %dma_wait3A_202 = tpu.memref_slice %arg7[%dma_wait3A_200, %dma_wait3A_201] : memref<640x64xf32, #tpu.memory_space<vmem>> -> memref<128x64xf32, #tpu.memory_space<vmem>>
      %dma_wait3A_203 = arith.constant 0 : i32
      %dma_wait3A_204 = tpu.memref_slice %arg5[%add3A_199, %dma_wait3A_203] : memref<200x128xi32, #tpu.memory_space<vmem>> -> memref<1x128xi32, #tpu.memory_space<vmem>>
      %dma_wait3A_205 = tpu.memref_squeeze %dma_wait3A_204 : memref<1x128xi32, #tpu.memory_space<vmem>> -> memref<128xi32, #tpu.memory_space<vmem>>
      %dma_wait3A_206 = arith.constant 0 : i32
      %dma_wait3A_207 = arith.constant 0 : i32
      %dma_wait3A_208 = tpu.memref_slice %arg2[%dma_wait3A_206, %dma_wait3A_207] : memref<1000000x64xf32, #tpu.memory_space<hbm>> -> memref<1000000x64xf32, #tpu.memory_space<hbm>>
      tpu.wait_indirect_dma semaphore(%arg9 : memref<!tpu.dma_semaphore, #tpu.memory_space<semaphore_mem>>) src(%dma_wait3A_208 : memref<1000000x64xf32, #tpu.memory_space<hbm>>) dst(%dma_wait3A_202 : memref<128x64xf32, #tpu.memory_space<vmem>>)
      %mul3A_209 = arith.constant 5 : i32
      %mul3A_210 = arith.muli %add3A_61, %mul3A_209 : i32
      %add3A_211 = arith.constant 1 : i32
      %add3A_212 = arith.addi %mul3A_210, %add3A_211 : i32
      %dma_wait3A_213 = arith.constant 128 : i32
      %dma_wait3A_214 = arith.constant 0 : i32
      %dma_wait3A_215 = tpu.memref_slice %arg7[%dma_wait3A_213, %dma_wait3A_214] : memref<640x64xf32, #tpu.memory_space<vmem>> -> memref<128x64xf32, #tpu.memory_space<vmem>>
      %dma_wait3A_216 = arith.constant 0 : i32
      %dma_wait3A_217 = tpu.memref_slice %arg5[%add3A_212, %dma_wait3A_216] : memref<200x128xi32, #tpu.memory_space<vmem>> -> memref<1x128xi32, #tpu.memory_space<vmem>>
      %dma_wait3A_218 = tpu.memref_squeeze %dma_wait3A_217 : memref<1x128xi32, #tpu.memory_space<vmem>> -> memref<128xi32, #tpu.memory_space<vmem>>
      %dma_wait3A_219 = arith.constant 0 : i32
      %dma_wait3A_220 = arith.constant 0 : i32
      %dma_wait3A_221 = tpu.memref_slice %arg2[%dma_wait3A_219, %dma_wait3A_220] : memref<1000000x64xf32, #tpu.memory_space<hbm>> -> memref<1000000x64xf32, #tpu.memory_space<hbm>>
      tpu.wait_indirect_dma semaphore(%arg9 : memref<!tpu.dma_semaphore, #tpu.memory_space<semaphore_mem>>) src(%dma_wait3A_221 : memref<1000000x64xf32, #tpu.memory_space<hbm>>) dst(%dma_wait3A_215 : memref<128x64xf32, #tpu.memory_space<vmem>>)
      %mul3A_222 = arith.constant 5 : i32
      %mul3A_223 = arith.muli %add3A_61, %mul3A_222 : i32
      %add3A_224 = arith.constant 2 : i32
      %add3A_225 = arith.addi %mul3A_223, %add3A_224 : i32
      %dma_wait3A_226 = arith.constant 256 : i32
      %dma_wait3A_227 = arith.constant 0 : i32
      %dma_wait3A_228 = tpu.memref_slice %arg7[%dma_wait3A_226, %dma_wait3A_227] : memref<640x64xf32, #tpu.memory_space<vmem>> -> memref<128x64xf32, #tpu.memory_space<vmem>>
      %dma_wait3A_229 = arith.constant 0 : i32
      %dma_wait3A_230 = tpu.memref_slice %arg5[%add3A_225, %dma_wait3A_229] : memref<200x128xi32, #tpu.memory_space<vmem>> -> memref<1x128xi32, #tpu.memory_space<vmem>>
      %dma_wait3A_231 = tpu.memref_squeeze %dma_wait3A_230 : memref<1x128xi32, #tpu.memory_space<vmem>> -> memref<128xi32, #tpu.memory_space<vmem>>
      %dma_wait3A_232 = arith.constant 0 : i32
      %dma_wait3A_233 = arith.constant 0 : i32
      %dma_wait3A_234 = tpu.memref_slice %arg2[%dma_wait3A_232, %dma_wait3A_233] : memref<1000000x64xf32, #tpu.memory_space<hbm>> -> memref<1000000x64xf32, #tpu.memory_space<hbm>>
      tpu.wait_indirect_dma semaphore(%arg9 : memref<!tpu.dma_semaphore, #tpu.memory_space<semaphore_mem>>) src(%dma_wait3A_234 : memref<1000000x64xf32, #tpu.memory_space<hbm>>) dst(%dma_wait3A_228 : memref<128x64xf32, #tpu.memory_space<vmem>>)
      %mul3A_235 = arith.constant 5 : i32
      %mul3A_236 = arith.muli %add3A_61, %mul3A_235 : i32
      %add3A_237 = arith.constant 3 : i32
      %add3A_238 = arith.addi %mul3A_236, %add3A_237 : i32
      %dma_wait3A_239 = arith.constant 384 : i32
      %dma_wait3A_240 = arith.constant 0 : i32
      %dma_wait3A_241 = tpu.memref_slice %arg7[%dma_wait3A_239, %dma_wait3A_240] : memref<640x64xf32, #tpu.memory_space<vmem>> -> memref<128x64xf32, #tpu.memory_space<vmem>>
      %dma_wait3A_242 = arith.constant 0 : i32
      %dma_wait3A_243 = tpu.memref_slice %arg5[%add3A_238, %dma_wait3A_242] : memref<200x128xi32, #tpu.memory_space<vmem>> -> memref<1x128xi32, #tpu.memory_space<vmem>>
      %dma_wait3A_244 = tpu.memref_squeeze %dma_wait3A_243 : memref<1x128xi32, #tpu.memory_space<vmem>> -> memref<128xi32, #tpu.memory_space<vmem>>
      %dma_wait3A_245 = arith.constant 0 : i32
      %dma_wait3A_246 = arith.constant 0 : i32
      %dma_wait3A_247 = tpu.memref_slice %arg2[%dma_wait3A_245, %dma_wait3A_246] : memref<1000000x64xf32, #tpu.memory_space<hbm>> -> memref<1000000x64xf32, #tpu.memory_space<hbm>>
      tpu.wait_indirect_dma semaphore(%arg9 : memref<!tpu.dma_semaphore, #tpu.memory_space<semaphore_mem>>) src(%dma_wait3A_247 : memref<1000000x64xf32, #tpu.memory_space<hbm>>) dst(%dma_wait3A_241 : memref<128x64xf32, #tpu.memory_space<vmem>>)
      %mul3A_248 = arith.constant 5 : i32
      %mul3A_249 = arith.muli %add3A_61, %mul3A_248 : i32
      %add3A_250 = arith.constant 4 : i32
      %add3A_251 = arith.addi %mul3A_249, %add3A_250 : i32
      %dma_wait3A_252 = arith.constant 512 : i32
      %dma_wait3A_253 = arith.constant 0 : i32
      %dma_wait3A_254 = tpu.memref_slice %arg7[%dma_wait3A_252, %dma_wait3A_253] : memref<640x64xf32, #tpu.memory_space<vmem>> -> memref<128x64xf32, #tpu.memory_space<vmem>>
      %dma_wait3A_255 = arith.constant 0 : i32
      %dma_wait3A_256 = tpu.memref_slice %arg5[%add3A_251, %dma_wait3A_255] : memref<200x128xi32, #tpu.memory_space<vmem>> -> memref<1x128xi32, #tpu.memory_space<vmem>>
      %dma_wait3A_257 = tpu.memref_squeeze %dma_wait3A_256 : memref<1x128xi32, #tpu.memory_space<vmem>> -> memref<128xi32, #tpu.memory_space<vmem>>
      %dma_wait3A_258 = arith.constant 0 : i32
      %dma_wait3A_259 = arith.constant 0 : i32
      %dma_wait3A_260 = tpu.memref_slice %arg2[%dma_wait3A_258, %dma_wait3A_259] : memref<1000000x64xf32, #tpu.memory_space<hbm>> -> memref<1000000x64xf32, #tpu.memory_space<hbm>>
      tpu.wait_indirect_dma semaphore(%arg9 : memref<!tpu.dma_semaphore, #tpu.memory_space<semaphore_mem>>) src(%dma_wait3A_260 : memref<1000000x64xf32, #tpu.memory_space<hbm>>) dst(%dma_wait3A_254 : memref<128x64xf32, #tpu.memory_space<vmem>>)
      %mul3A_261 = arith.constant 640 : i32
      %mul3A_262 = arith.muli %add3A_61, %mul3A_261 : i32
      %add3A_263 = arith.addi %mul3A_2, %mul3A_262 : i32
      "tpu.region"() ({
        %run_scoped3A = tpu.sem_alloc : memref<!tpu.dma_semaphore, #tpu.memory_space<semaphore_mem>>
        %dma_start3A_264 = arith.constant 0 : i32
        %dma_start3A_265 = tpu.memref_slice %arg4[%add3A_263, %dma_start3A_264] : memref<819200x128xf32, #tpu.memory_space<hbm>> -> memref<640x64xf32, #tpu.memory_space<hbm>>
        %dma_start3A_266 = arith.constant 0 : i32
        %dma_start3A_267 = tpu.memref_slice %arg4[%add3A_263, %dma_start3A_266] : memref<819200x128xf32, #tpu.memory_space<hbm>> -> memref<640x64xf32, #tpu.memory_space<hbm>>
        tpu.enqueue_dma source(%arg7 : memref<640x64xf32, #tpu.memory_space<vmem>>) target(%dma_start3A_267 : memref<640x64xf32, #tpu.memory_space<hbm>>) target_semaphore(%run_scoped3A : memref<!tpu.dma_semaphore, #tpu.memory_space<semaphore_mem>>)
        %dma_wait3A_268 = arith.constant 0 : i32
        %dma_wait3A_269 = tpu.memref_slice %arg4[%add3A_263, %dma_wait3A_268] : memref<819200x128xf32, #tpu.memory_space<hbm>> -> memref<640x64xf32, #tpu.memory_space<hbm>>
        %dma_wait3A_270 = arith.constant 0 : i32
        %dma_wait3A_271 = tpu.memref_slice %arg4[%add3A_263, %dma_wait3A_270] : memref<819200x128xf32, #tpu.memory_space<hbm>> -> memref<640x64xf32, #tpu.memory_space<hbm>>
        tpu.wait_dma2 semaphore(%run_scoped3A : memref<!tpu.dma_semaphore, #tpu.memory_space<semaphore_mem>>) src(%arg7 : memref<640x64xf32, #tpu.memory_space<vmem>>) dst(%dma_wait3A_271 : memref<640x64xf32, #tpu.memory_space<hbm>>)
        tpu.yield
      }) : () -> ()
    }
    %scan3A_56 = arith.constant 20 : i32
    return
  }
}

</mosaic_0001>

<sc_bundles>
// kernel: kernel.3.cloned.1.call-start
scs
__scs_entry_jumppad:
0x0: {  	(pc) =	sbr.rel $0x88, $3  }
0x1: {  	(tag) =	ssettag $0x0;
	lr =	simm.s32 $0x1  }
0x2: {  	[smem:$0x3F9F] =	sst lr;
	_ =	strace $0xD0000000  }
0x3: {  	_ = 	snop  }
0x4: {  	_ = 	snop  }
0x5: {  	_ = 	snop  }
0x6: {  	_ = 	snop  }
0x7: {  	_ = 	snop  }
__scs_overlays_trampoline_lowered:
0x8: {  	[smem:$0x3FAE] =	sst s0  }
0x9: {  	[smem:$0x3FAF] =	sst s1  }
0xa: {  	[smem:$0x3FB0] =	sst s2  }
0xb: {  	[smem:$0x3FB1] =	sst s3  }
0xc: {  	[smem:$0x3FB2] =	sst s4  }
0xd: {  	[smem:$0x3FB3] =	sst s5  }
0xe: {  	[smem:$0x3FB4] =	sst s6  }
0xf: {  	[smem:$0x3FB5] =	sst s7  }
0x10: {  	[smem:$0x3FB6] =	sst s8  }
0x11: {  	[smem:$0x3FB7] =	sst s9;
	s0 =	simm.s32 @!p0 $0x0  }
0x12: {  	s1 =	sld [smem:$0x3F9D];
	s0 =	simm.s32 @p0 $0x1  }
0x13: {  	[smem:$0x3FB8] =	sst s0;
	s0 =	simm.s32 @!p1 $0x0  }
0x14: {  	s2 =	sld [smem:$0x3F9C];
	s0 =	simm.s32 @p1 $0x1  }
0x15: {  	[smem:$0x3FB9] =	sst s0;
	s0 =	simm.s32 @!p2 $0x0  }
0x16: {  	s3 =	sld [smem:$0x3FDB];
	s0 =	simm.s32 @p2 $0x1  }
0x17: {  	s4 =	simm.s32 $0x1BF5;
	[smem:$0x3FBB] =	sst s0  }
0x18: {  	s0 =	sld [smem:$0x3F9E];
	_ =	swait.ge [sflag:s4], $0x0  }
0x19: {  	s7 =	sld [smem:$0x3F9F]  }
0x1a: {  	s8 =	sadd.s32 $0xFFFFE003, lr  }
0x1b: {  	s9 =	sadd.s32 $0xFFFFFEF7, lr;
	s5 =	simm.s32 $0xFFFFFFFF;
	p2 =	slt.u32 s8, $0xFFFFF086  }
0x1c: {  	p1 =	slt.u32 s9, $0xF7A;
	s5 =	simm.s32 @!p2 $0x0  }
0x1d: {  	s5 =	simm.s32 @p1 $0x1;
	p0 =	seq.s32 s7, s2  }
0x1e: {  	s7 =	smul.u32 @!p0 $0xF7A, s2;
	p2 =	seq.s32 @!p0 s5, $0x0  }
0x1f: {  	s9 =	smul.u32 $0xF7A, s1;
	s8 =	simm.s32 @!p0 $0x1BF5;
	p2 =	por !p2, p0  }
0x20: {  	[sflag:s8] =	ssyncset.s32 @!p0 $0xFFFFF086;
	s6 =	sadd.s32 @!p0 s3, s7;
	s7 =	simm.s32 @!p0 $0x108  }
0x21: {  	s3 =	sadd.s32 s3, s9;
	s6 =	sadd.s32 @!p0 $0x88, s6;
	s7 =	simm.s32 @p2 $0x1082  }
0x22: {  	[simem:s7], [sflag:s8] =	dma.local @!p0 [hbm:s6], $0xF7A  }
0x23: {  	s9 =	sor.u32 $0xD0000000, s2;
	s6 =	simm.s32 $0x108;
	_ =	swait.ge @!p0 [sflag:s8], $0x0  }
0x24: {  	s3 =	sadd.s32 $0x88, s3;
	s6 =	simm.s32 @!p1 $0x1082;
	[sflag:s4] =	ssyncset.s32 $0xFFFFF086  }
0x25: {  	[simem:s6], [sflag:s4] =	dma.local [hbm:s3], $0xF7A  }
0x26: {  	[smem:$0x3F9F] =	sst s1;
	(tag) =	ssettag s2;
	_ =	strace s9  }
0x27: {  	s1 =	sld [smem:$0x3FAF]  }
0x28: {  	s2 =	sld [smem:$0x3FB0]  }
0x29: {  	s4 =	sld [smem:$0x3FB2]  }
0x2a: {  	p0 =	seq.s32 s5, $0x0;
	s5 =	sld [smem:$0x3FB3]  }
0x2b: {  	s6 =	sld [smem:$0x3FB4]  }
0x2c: {  	s7 =	sld [smem:$0x3FB5]  }
0x2d: {  	s3 =	simm.s32 $0x108;
	s8 =	sld [smem:$0x3FB6]  }
0x2e: {  	s3 =	simm.s32 @!p0 $0x1082;
	s9 =	sld [smem:$0x3FB7]  }
0x2f: {  	lr =	sadd.s32 s0, s3;
	s0 =	sld [smem:$0x3FAE]  }
0x30: {  	s3 =	sld [smem:$0x3FB1]  }
0x31: {  	[smem:$0x3FBA] =	sst s10  }
0x32: {  	s10 =	sld [smem:$0x3FB8];
	_ =	sdelay $0x3  }
0x33: {  	p0 =	seq.s32 s10, $0x1;
	s10 =	sld [smem:$0x3FBA];
	_ =	sdelay $0x3  }
0x34: {  	[smem:$0x3FBA] =	sst s10  }
0x35: {  	s10 =	sld [smem:$0x3FB9];
	_ =	sdelay $0x3  }
0x36: {  	p1 =	seq.s32 s10, $0x1;
	s10 =	sld [smem:$0x3FBA];
	_ =	sdelay $0x3  }
0x37: {  	[smem:$0x3FBA] =	sst s10  }
0x38: {  	s10 =	sld [smem:$0x3FBB]  }
0x39: {  	_ = 	snop;
	(pc) =	sbr.ind lr, $3  }
0x3a: {  	_ = 	snop  }
0x3b: {  	_ = 	snop  }
0x3c: {  	p2 =	seq.s32 s10, $0x1;
	s10 =	sld [smem:$0x3FBA]  }
0x3d: {  	_ =	shalt  }
0x3e: {  	_ =	shalt  }
0x3f: {  	_ =	shalt  }
0x40: {  	_ =	shalt  }
0x41: {  	_ =	shalt  }
0x42: {  	_ =	shalt  }
0x43: {  	_ =	shalt  }
0x44: {  	_ =	shalt  }
0x45: {  	_ =	shalt  }
0x46: {  	_ =	shalt  }
0x47: {  	_ =	shalt  }
0x48: {  	_ =	shalt  }
0x49: {  	_ =	shalt  }
0x4a: {  	_ =	shalt  }
0x4b: {  	_ =	shalt  }
0x4c: {  	_ =	shalt  }
0x4d: {  	_ =	shalt  }
0x4e: {  	_ =	shalt  }
0x4f: {  	_ =	shalt  }
0x50: {  	_ =	shalt  }
0x51: {  	_ =	shalt  }
0x52: {  	_ =	shalt  }
0x53: {  	_ =	shalt  }
0x54: {  	_ =	shalt  }
0x55: {  	_ =	shalt  }
0x56: {  	_ =	shalt  }
0x57: {  	_ =	shalt  }
0x58: {  	_ =	shalt  }
0x59: {  	_ =	shalt  }
0x5a: {  	_ =	shalt  }
0x5b: {  	_ =	shalt  }
0x5c: {  	_ =	shalt  }
0x5d: {  	_ =	shalt  }
0x5e: {  	_ =	shalt  }
0x5f: {  	_ =	shalt  }
0x60: {  	_ =	shalt  }
0x61: {  	_ =	shalt  }
0x62: {  	_ =	shalt  }
0x63: {  	_ =	shalt  }
0x64: {  	_ =	shalt  }
0x65: {  	_ =	shalt  }
0x66: {  	_ =	shalt  }
0x67: {  	_ =	shalt  }
0x68: {  	_ =	shalt  }
0x69: {  	_ =	shalt  }
0x6a: {  	_ =	shalt  }
0x6b: {  	_ =	shalt  }
0x6c: {  	_ =	shalt  }
0x6d: {  	_ =	shalt  }
0x6e: {  	_ =	shalt  }
0x6f: {  	_ =	shalt  }
0x70: {  	_ =	shalt  }
0x71: {  	_ =	shalt  }
0x72: {  	_ =	shalt  }
0x73: {  	_ =	shalt  }
0x74: {  	_ =	shalt  }
0x75: {  	_ =	shalt  }
0x76: {  	_ =	shalt  }
0x77: {  	_ =	shalt  }
0x78: {  	_ =	shalt  }
0x79: {  	_ =	shalt  }
0x7a: {  	_ =	shalt  }
0x7b: {  	_ =	shalt  }
0x7c: {  	_ =	shalt  }
0x7d: {  	_ =	shalt  }
0x7e: {  	_ =	shalt  }
0x7f: {  	_ =	shalt  }
0x80: {  	_ =	shalt  }
0x81: {  	_ =	shalt  }
0x82: {  	_ =	shalt  }
0x83: {  	_ =	shalt  }
0x84: {  	_ =	shalt  }
0x85: {  	_ =	shalt  }
0x86: {  	_ =	shalt  }
0x87: {  	_ =	shalt  }
.Lfunc_end0:
.L_simem_size_0:
called_computation.1_lowered:
.L_overlay_start_0:
0x88: {  	s2 =	sld [smem:$0x3FD9]  }
0x89: {  	s3 =	sld [smem:$0x3FFE];
	_ =	sdelay $0x1  }
0x8a: {  	s1 =	srdreg.scid  }
0x8b: {  	s0 =	sand.u32 $0x1, s1  }
0x8c: {  	s17 =	sshll.u32 s0, $0xA;
	s2 =	sadd.s32 s3, s2  }
0x8d: {  	s2 =	sadd.s32 s2, s17  }
0x8e: {  	[smem:$0x3FC6] =	sst s2  }
0x8f: {  	_ = 	snop  }
0x90: {  	s2 =	sld [smem:$0x3FD0];
	(tm) =	ssettm $0x1  }
0x91: {  	s18 =	sld [smem:$0x3FFB];
	_ =	sdelay $0x3  }
0x92: {  	_ =	strace s18  }
0x93: {  	s3 =	sld [smem:$0x3FFC];
	_ =	sdelay $0x3  }
0x94: {  	_ =	strace s3  }
0x95: {  	s3 =	sld [smem:$0x3FFD];
	_ =	sdelay $0x3  }
0x96: {  	_ =	strace s3  }
0x97: {  	_ =	strace $0x8FFFFFFF  }
0x98: {  	s19 =	sld [smem:$0x3FDB];
	_ =	sdelay $0x1  }
0x99: {  	s4 =	simm.s32 $_scs_section_size  }
0x9a: {  	s5 =	simm.s32 $_size__tile_overlayer_lowered;
	s6 =	simm.s32 $_tile_overlayer_lowered  }
0x9b: {  	s22 =	simm.s32 $0x1BFF;
	s21 =	sshll.u32 s6, $0x1;
	s3 =	sadd.s32 s4, s19  }
0x9c: {  	s7 =	simm.s32 $0x0;
	s20 =	sshll.u32 s5, $0x1;
	s5 =	sadd.s32 s21, s3  }
0x9d: {  	[timem:s7], [sflag:s22] =	dma.local [hbm:s5], s20  }
0x9e: {  	_ =	swait.ge [sflag:s22], s20  }
0x9f: {  	s4 =	ssub.s32 $0x0, s20;
	[sflag:s22] =	ssyncset.done $0x0  }
0xa0: {  	[sflag:s22] =	ssyncadd.s32 s4;
	_ =	sdelay $0x1  }
0xa1: {  	s23 =	simm.s32 $0x1B8B  }
0xa2: {  	_ =	swait.ge [sflag:s23], $0x1  }
0xa3: {  	[sflag:s23] =	ssyncset.done $0x0  }
0xa4: {  	s25 =	simm.s32 $0x1B8E;
	s24 =	sld [smem:$0x3FFE];
	[sflag:s23] =	ssyncadd.s32 $0xFFFFFFFF  }
0xa5: {  	s26 =	simm.s32 $execute0_lowered;
	[smem:$0x3FD2] =	sst s25  }
0xa6: {  	s5 =	sshll.u32 s26, $0x1;
	_ =	strace $0x80000046;
	[dreg:$0x1] =	wrdreg $0xFFFFFFFF  }
0xa7: {  	s28 =	simm.s32 $_size_execute0_lowered;
	s3 =	sadd.s32 s3, s5;
	[dreg:$0x0] =	wrdreg $0x0  }
0xa8: {  	s5 =	sshll.u32 s28, $0x1;
	[dreg:$0x2] =	wrdreg s3  }
0xa9: {  	[dreg:$0x3] =	wrdreg s5  }
0xaa: {  	[dreg:$0x4] =	wrdreg $0xC0  }
0xab: {  	_ =	task [dreg:s7], $0x5FFFF  }
0xac: {  	[dreg:$0x1] =	wrdreg $0xFFFFFFFF  }
0xad: {  	[dreg:$0x0] =	wrdreg $0x60  }
0xae: {  	[dreg:$0x2] =	wrdreg s24  }
0xaf: {  	[dreg:$0x3] =	wrdreg s2  }
0xb0: {  	[dreg:$0x4] =	wrdreg $0x9  }
0xb1: {  	_ =	task.clear_ibuf [dreg:s7], $0x5FFFF;
	_ =	strace $0x90000046  }
0xb2: {  	s29 =	simm.s32 $0x9;
	_ =	strace $0x80000048  }
0xb3: {  	_ =	swait.ge [sflag:s29], $0x1  }
0xb4: {  	[sflag:s29] =	ssyncadd.s32 $0xFFFFFFFF  }
0xb5: {  	_ =	strace $0x90000048  }
0xb6: {  	_ =	sfence  }
0xb7: {  	s30 =	sld [smem:$0x0];
	_ =	sdelay $0x2  }
0xb8: {  	s31 =	sshll.u32 s1, $0xD;
	s1 =	sshrl.u32 s1, $0x2  }
0xb9: {  	s3 =	sand.u32 $0x4000, s31;
	s1 =	sadd.s32 s1, s30  }
0xba: {  	s0 =	sor.u32 s3, s0;
	s1 =	sshll.u32 s1, $0x11  }
0xbb: {  	s0 =	sor.u32 s1, s0  }
0xbc: {  	s0 =	sadd.s32 $0x8F2B, s0  }
0xbd: {  	[sflag:s0] =	ssyncadd.remote.s32 $0x1  }
0xbe: {  	_ =	sfence.sel $0xFFFF  }
0xbf: {  	[dreg:$0x0] =	wrdreg $0xFFFFFFFF;
	(pc) =	sbr.abs _section_cstart, $3  }
0xc0: {  	[dreg:$0x1] =	wrdreg $0xFFFFFFFF  }
0xc1: {  	_ =	task.clear_ibuf [dreg:s7], $0x2FFFF;
	_ =	strace $0x9FFFFFFF  }
0xc2: {  	(tm) =	ssettm $0x7FFFFFFF  }
0xc3: {  	_ =	shalt  }
tec
execute0_lowered:
.L_overlay_start_1:
0x0: {  	(tag) =	ssettag $0x1  }
0x1: {  	s0 =	rddreg [dreg:$0x0]  }
0x2: {  	s1 =	rddreg [dreg:$0x1];
	s2 =	simm.s32 $0x0;
	s3 =	srdreg.scid  }
0x3: {  	s11 =	stileid.u32;
	s12 =	simm.s32 $0x6400;
	s13 =	simm.s32 $0x8400  }
0x4: {  	s15 =	simm.s32 $0xA400;
	s17 =	simm.s32 $0xC400;
	s19 =	simm.s32 $0xE400  }
0x5: {  	s20 =	simm.s32 $0x10400;
	s21 =	simm.s32 $0x12400;
	s22 =	simm.s32 $0x14400  }
0x6: {  	s23 =	simm.s32 $0x16400;
	s24 =	simm.s32 $0x18400;
	s28 =	simm.s32 $0x2  }
0x7: {  	s14 =	simm.s32 $0x0;
	[smem:$0x7FF] =	sst s2;
	s8 =	smul.u32 $0xC800, s11  }
0x8: {  	s6 =	sand.u32 $0x1, s3;
	s25 =	sshll.u32 s11, $0x1;
	s29 =	smul.u32 $0xC8000, s11  }
0x9: {  	s3 =	sadd.s32 $0xF42E00, s0;
	s0 =	sadd.s32 $0xA00, s0;
	s10 =	smul.u32 $0x6400, s6  }
0xa: {  	s11 =	simm.s32 $0x80;
	s5 =	sor.u32 s6, s25;
	s30 =	smul.u32 $0x64000, s6  }
0xb: {  	_ =	strace $0x80000047;
	s7 =	ssub.s32 $0x2, s6;
	s4 =	smul.u32 $0x6400, s5  }
0xc: {  	s25 =	simm.s32 $0x1;
	s9 =	sshrl.u32 s7, $0x1;
	s26 =	smul.u32 $0x64000, s5  }
0xd: {  	s31 =	sadd.s32 s29, s0;
	s7 =	ssub.s32 s7, s9;
	s8 =	sadd.s32 s10, s8  }
0xe: {  	s10 =	simm.s32 $0x3;
	s4 =	sshrl.u32 s4, $0x3;
	s5 =	smax.u32 s7, $0x1  }
0xf: {  	s8 =	sshll.u32 s8, $0x4;
	s4 =	sadd.s32 s1, s4;
	s1 =	sadd.s32 s0, s26  }
0x10: {  	s0 =	sadd.s32 s8, s0;
	s8 =	sadd.s32 s30, s31;
	s26 =	simm.s32 $0x40  }
0x11: {  	s6 =	sadd.s32 $0x5F000, s1;
	s7 =	sadd.s32 $0x61800, s1;
	s9 =	sadd.s32 $0x2800, s0  }
.LBB2_1:
0x12: {  	[tilespmem:s2], [sflag:$0x3] =	stream.linear.gather [hbm4b:s4+s2], $0x6400, $0x38;
	[tilespmem:$0x1A400] =	vst v63  }
0x13: {  	_ =	swait.ge [sflag:s10], $0x6400  }
0x14: {  	[sflag:s10] =	ssyncset.done $0x0  }
0x15: {  	[sflag:s10] =	ssyncadd.s32 $0xFFFF9C00  }
0x16: {  	[tilespmem:s12], [sflag:$0x1] =	stream.indirect.gather [hbm4b:s3+s11], $0x40, s2, s11, $0xb8;
	[tilespmem:$0x1A400] =	vst v63  }
0x17: {  	_ = 	snop  }
0x18: {  	[tilespmem:s13], [sflag:$0x1] =	stream.indirect.gather [hbm4b:s3+s11], $0x40, s11, s11, $0xb8;
	[tilespmem:$0x1A400] =	vst v63  }
0x19: {  	s0 =	simm.s32 $0x100  }
0x1a: {  	[tilespmem:s15], [sflag:$0x1] =	stream.indirect.gather [hbm4b:s3+s11], $0x40, s0, s11, $0xb8;
	[tilespmem:$0x1A400] =	vst v63  }
0x1b: {  	s1 =	simm.s32 $0x180  }
0x1c: {  	[tilespmem:s17], [sflag:$0x1] =	stream.indirect.gather [hbm4b:s3+s11], $0x40, s1, s11, $0xb8;
	[tilespmem:$0x1A400] =	vst v63  }
0x1d: {  	s16 =	simm.s32 $0x200  }
0x1e: {  	[tilespmem:s19], [sflag:$0x1] =	stream.indirect.gather [hbm4b:s3+s11], $0x40, s16, s11, $0xb8;
	[tilespmem:$0x1A400] =	vst v63  }
0x1f: {  	s18 =	simm.s32 $0x280  }
0x20: {  	[tilespmem:s20], [sflag:$0x2] =	stream.indirect.gather [hbm4b:s3+s11], $0x40, s18, s11, $0xb8;
	[tilespmem:$0x1A400] =	vst v63  }
0x21: {  	s31 =	simm.s32 $0x300  }
0x22: {  	[tilespmem:s21], [sflag:$0x2] =	stream.indirect.gather [hbm4b:s3+s11], $0x40, s31, s11, $0xb8;
	[tilespmem:$0x1A400] =	vst v63  }
0x23: {  	s1 =	simm.s32 $0x380  }
0x24: {  	[tilespmem:s22], [sflag:$0x2] =	stream.indirect.gather [hbm4b:s3+s11], $0x40, s1, s11, $0xb8;
	[tilespmem:$0x1A400] =	vst v63  }
0x25: {  	s16 =	simm.s32 $0x400  }
0x26: {  	[tilespmem:s23], [sflag:$0x2] =	stream.indirect.gather [hbm4b:s3+s11], $0x40, s16, s11, $0xb8;
	[tilespmem:$0x1A400] =	vst v63  }
0x27: {  	s18 =	simm.s32 $0x480  }
0x28: {  	[tilespmem:s24], [sflag:$0x2] =	stream.indirect.gather [hbm4b:s3+s11], $0x40, s18, s11, $0xb8;
	[tilespmem:$0x1A400] =	vst v63  }
0x29: {  	_ =	swait.ge [sflag:s25], $0x2000  }
0x2a: {  	[sflag:s25] =	ssyncset.done $0x0  }
0x2b: {  	[sflag:s25] =	ssyncadd.s32 $0xFFFFE000  }
0x2c: {  	_ =	swait.ge [sflag:s25], $0x2000  }
0x2d: {  	[sflag:s25] =	ssyncset.done $0x0  }
0x2e: {  	[sflag:s25] =	ssyncadd.s32 $0xFFFFE000  }
0x2f: {  	_ =	swait.ge [sflag:s25], $0x2000  }
0x30: {  	[sflag:s25] =	ssyncset.done $0x0  }
0x31: {  	[sflag:s25] =	ssyncadd.s32 $0xFFFFE000  }
0x32: {  	_ =	swait.ge [sflag:s25], $0x2000  }
0x33: {  	[sflag:s25] =	ssyncset.done $0x0  }
0x34: {  	[sflag:s25] =	ssyncadd.s32 $0xFFFFE000  }
0x35: {  	_ =	swait.ge [sflag:s25], $0x2000  }
0x36: {  	[sflag:s25] =	ssyncset.done $0x0  }
0x37: {  	[sflag:s25] =	ssyncadd.s32 $0xFFFFE000  }
0x38: {  	[hbm4b:s8+s26] =	stream.strided.scatter [tilespmem:s12], [sflag:$0x3], $0xA000, s11, s26, $0x38;
	[tilespmem:$0x1A400] =	vst v63  }
0x39: {  	_ =	swait.ge [sflag:s10], $0xA000  }
0x3a: {  	[sflag:s10] =	ssyncset.done $0x0  }
0x3b: {  	s31 =	simm.s32 $0x500;
	[sflag:s10] =	ssyncadd.s32 $0xFFFF6000  }
0x3c: {  	[tilespmem:s12], [sflag:$0x1] =	stream.indirect.gather [hbm4b:s3+s11], $0x40, s31, s11, $0xb8;
	[tilespmem:$0x1A400] =	vst v63  }
0x3d: {  	s1 =	simm.s32 $0x580  }
0x3e: {  	[tilespmem:s13], [sflag:$0x1] =	stream.indirect.gather [hbm4b:s3+s11], $0x40, s1, s11, $0xb8;
	[tilespmem:$0x1A400] =	vst v63  }
0x3f: {  	s16 =	simm.s32 $0x600  }
0x40: {  	[tilespmem:s15], [sflag:$0x1] =	stream.indirect.gather [hbm4b:s3+s11], $0x40, s16, s11, $0xb8;
	[tilespmem:$0x1A400] =	vst v63  }
0x41: {  	s18 =	simm.s32 $0x680  }
0x42: {  	[tilespmem:s17], [sflag:$0x1] =	stream.indirect.gather [hbm4b:s3+s11], $0x40, s18, s11, $0xb8;
	[tilespmem:$0x1A400] =	vst v63  }
0x43: {  	s31 =	simm.s32 $0x700  }
0x44: {  	[tilespmem:s19], [sflag:$0x1] =	stream.indirect.gather [hbm4b:s3+s11], $0x40, s31, s11, $0xb8;
	[tilespmem:$0x1A400] =	vst v63  }
0x45: {  	_ =	swait.ge [sflag:s28], $0x2000  }
0x46: {  	[sflag:s28] =	ssyncset.done $0x0  }
0x47: {  	[sflag:s28] =	ssyncadd.s32 $0xFFFFE000  }
0x48: {  	_ =	swait.ge [sflag:s28], $0x2000  }
0x49: {  	[sflag:s28] =	ssyncset.done $0x0  }
0x4a: {  	[sflag:s28] =	ssyncadd.s32 $0xFFFFE000  }
0x4b: {  	_ =	swait.ge [sflag:s28], $0x2000  }
0x4c: {  	[sflag:s28] =	ssyncset.done $0x0  }
0x4d: {  	[sflag:s28] =	ssyncadd.s32 $0xFFFFE000  }
0x4e: {  	_ =	swait.ge [sflag:s28], $0x2000  }
0x4f: {  	[sflag:s28] =	ssyncset.done $0x0  }
0x50: {  	[sflag:s28] =	ssyncadd.s32 $0xFFFFE000  }
0x51: {  	_ =	swait.ge [sflag:s28], $0x2000  }
0x52: {  	[sflag:s28] =	ssyncset.done $0x0  }
0x53: {  	[sflag:s28] =	ssyncadd.s32 $0xFFFFE000  }
0x54: {  	[hbm4b:s9+s26] =	stream.strided.scatter [tilespmem:s20], [sflag:$0x3], $0xA000, s11, s26, $0x38;
	[tilespmem:$0x1A400] =	vst v63  }
0x55: {  	s30 =	simm.s32 $0x2800;
	s29 =	simm.s32 $0x500;
	_ =	swait.ge [sflag:s10], $0xA000  }
0x56: {  	s16 =	sadd.s32 $0x5000, s9;
	s18 =	sadd.s32 $0x5000, s8;
	[sflag:s10] =	ssyncset.done $0x0  }
.LBB2_2:
0x57: {  	s1 =	sadd.s32 $0x280, s29  }
0x58: {  	[sflag:s10] =	ssyncadd.s32 $0xFFFF6000;
	s31 =	smov.u32 s30;
	s0 =	sadd.s32 $0x1400, s30  }
0x59: {  	[tilespmem:s20], [sflag:$0x2] =	stream.indirect.gather [hbm4b:s3+s11], $0x40, s1, s11, $0xb8;
	[tilespmem:$0x1A400] =	vst v63  }
0x5a: {  	p0 =	sne.s32 s30, $0x16800;
	s1 =	sadd.s32 $0x300, s29  }
0x5b: {  	[tilespmem:s21], [sflag:$0x2] =	stream.indirect.gather [hbm4b:s3+s11], $0x40, s1, s11, $0xb8;
	[tilespmem:$0x1A400] =	vst v63  }
0x5c: {  	s1 =	sadd.s32 $0x380, s29  }
0x5d: {  	[tilespmem:s22], [sflag:$0x2] =	stream.indirect.gather [hbm4b:s3+s11], $0x40, s1, s11, $0xb8;
	[tilespmem:$0x1A400] =	vst v63  }
0x5e: {  	s1 =	sadd.s32 $0x400, s29  }
0x5f: {  	[tilespmem:s23], [sflag:$0x2] =	stream.indirect.gather [hbm4b:s3+s11], $0x40, s1, s11, $0xb8;
	[tilespmem:$0x1A400] =	vst v63  }
0x60: {  	s1 =	sadd.s32 $0x480, s29  }
0x61: {  	[tilespmem:s24], [sflag:$0x2] =	stream.indirect.gather [hbm4b:s3+s11], $0x40, s1, s11, $0xb8;
	[tilespmem:$0x1A400] =	vst v63  }
0x62: {  	_ =	swait.ge [sflag:s25], $0x2000  }
0x63: {  	[sflag:s25] =	ssyncset.done $0x0  }
0x64: {  	[sflag:s25] =	ssyncadd.s32 $0xFFFFE000  }
0x65: {  	_ =	swait.ge [sflag:s25], $0x2000  }
0x66: {  	[sflag:s25] =	ssyncset.done $0x0  }
0x67: {  	[sflag:s25] =	ssyncadd.s32 $0xFFFFE000  }
0x68: {  	_ =	swait.ge [sflag:s25], $0x2000  }
0x69: {  	[sflag:s25] =	ssyncset.done $0x0  }
0x6a: {  	[sflag:s25] =	ssyncadd.s32 $0xFFFFE000  }
0x6b: {  	_ =	swait.ge [sflag:s25], $0x2000  }
0x6c: {  	[sflag:s25] =	ssyncset.done $0x0  }
0x6d: {  	[sflag:s25] =	ssyncadd.s32 $0xFFFFE000  }
0x6e: {  	_ =	swait.ge [sflag:s25], $0x2000  }
0x6f: {  	[sflag:s25] =	ssyncset.done $0x0  }
0x70: {  	[sflag:s25] =	ssyncadd.s32 $0xFFFFE000  }
0x71: {  	[hbm4b:s18+s26] =	stream.strided.scatter [tilespmem:s12], [sflag:$0x3], $0xA000, s11, s26, $0x38;
	[tilespmem:$0x1A400] =	vst v63  }
0x72: {  	_ =	swait.ge [sflag:s10], $0xA000  }
0x73: {  	[sflag:s10] =	ssyncset.done $0x0  }
0x74: {  	s1 =	sadd.s32 $0x500, s29;
	[sflag:s10] =	ssyncadd.s32 $0xFFFF6000  }
0x75: {  	[tilespmem:s12], [sflag:$0x1] =	stream.indirect.gather [hbm4b:s3+s11], $0x40, s1, s11, $0xb8;
	[tilespmem:$0x1A400] =	vst v63  }
0x76: {  	s1 =	sadd.s32 $0x580, s29  }
0x77: {  	[tilespmem:s13], [sflag:$0x1] =	stream.indirect.gather [hbm4b:s3+s11], $0x40, s1, s11, $0xb8;
	[tilespmem:$0x1A400] =	vst v63  }
0x78: {  	s1 =	sadd.s32 $0x600, s29  }
0x79: {  	[tilespmem:s15], [sflag:$0x1] =	stream.indirect.gather [hbm4b:s3+s11], $0x40, s1, s11, $0xb8;
	[tilespmem:$0x1A400] =	vst v63  }
0x7a: {  	s1 =	sadd.s32 $0x680, s29  }
0x7b: {  	[tilespmem:s17], [sflag:$0x1] =	stream.indirect.gather [hbm4b:s3+s11], $0x40, s1, s11, $0xb8;
	[tilespmem:$0x1A400] =	vst v63  }
0x7c: {  	s1 =	sadd.s32 $0x700, s29  }
0x7d: {  	[tilespmem:s19], [sflag:$0x1] =	stream.indirect.gather [hbm4b:s3+s11], $0x40, s1, s11, $0xb8;
	[tilespmem:$0x1A400] =	vst v63  }
0x7e: {  	_ =	swait.ge [sflag:s28], $0x2000  }
0x7f: {  	[sflag:s28] =	ssyncset.done $0x0  }
0x80: {  	[sflag:s28] =	ssyncadd.s32 $0xFFFFE000  }
0x81: {  	_ =	swait.ge [sflag:s28], $0x2000  }
0x82: {  	[sflag:s28] =	ssyncset.done $0x0  }
0x83: {  	[sflag:s28] =	ssyncadd.s32 $0xFFFFE000  }
0x84: {  	_ =	swait.ge [sflag:s28], $0x2000  }
0x85: {  	[sflag:s28] =	ssyncset.done $0x0  }
0x86: {  	[sflag:s28] =	ssyncadd.s32 $0xFFFFE000  }
0x87: {  	_ =	swait.ge [sflag:s28], $0x2000  }
0x88: {  	[sflag:s28] =	ssyncset.done $0x0  }
0x89: {  	[sflag:s28] =	ssyncadd.s32 $0xFFFFE000  }
0x8a: {  	_ =	swait.ge [sflag:s28], $0x2000  }
.Ltmp0:
0x8b: {  	[sflag:s28] =	ssyncset.done $0x0;
	(pc) =	sbr.rel @p0 .LBB2_2-.Ltmp0, $4  }
0x8c: {  	[sflag:s28] =	ssyncadd.s32 $0xFFFFE000  }
0x8d: {  	[hbm4b:s16+s26] =	stream.strided.scatter [tilespmem:s20], [sflag:$0x3], $0xA000, s11, s26, $0x38;
	[tilespmem:$0x1A400] =	vst v63  }
0x8e: {  	s30 =	smov.u32 s0;
	s16 =	sadd.s32 $0x5000, s16;
	_ =	swait.ge [sflag:s10], $0xA000  }
0x8f: {  	s18 =	sadd.s32 $0x5000, s18;
	s29 =	sshra.s32 s31, $0x2;
	[sflag:s10] =	ssyncset.done $0x0  }
0x90: {  	s0 =	sadd.s32 $0x280, s29;
	[sflag:s10] =	ssyncadd.s32 $0xFFFF6000  }
0x91: {  	[tilespmem:s20], [sflag:$0x2] =	stream.indirect.gather [hbm4b:s3+s11], $0x40, s0, s11, $0xb8;
	[tilespmem:$0x1A400] =	vst v63  }
0x92: {  	s31 =	sadd.s32 $0x300, s29  }
0x93: {  	[tilespmem:s21], [sflag:$0x2] =	stream.indirect.gather [hbm4b:s3+s11], $0x40, s31, s11, $0xb8;
	[tilespmem:$0x1A400] =	vst v63  }
0x94: {  	s1 =	sadd.s32 $0x380, s29  }
0x95: {  	[tilespmem:s22], [sflag:$0x2] =	stream.indirect.gather [hbm4b:s3+s11], $0x40, s1, s11, $0xb8;
	[tilespmem:$0x1A400] =	vst v63  }
0x96: {  	s30 =	sadd.s32 $0x400, s29  }
0x97: {  	[tilespmem:s23], [sflag:$0x2] =	stream.indirect.gather [hbm4b:s3+s11], $0x40, s30, s11, $0xb8;
	[tilespmem:$0x1A400] =	vst v63  }
0x98: {  	s31 =	sadd.s32 $0x480, s29  }
0x99: {  	[tilespmem:s24], [sflag:$0x2] =	stream.indirect.gather [hbm4b:s3+s11], $0x40, s31, s11, $0xb8;
	[tilespmem:$0x1A400] =	vst v63  }
0x9a: {  	_ =	swait.ge [sflag:s25], $0x2000  }
0x9b: {  	[sflag:s25] =	ssyncset.done $0x0  }
0x9c: {  	[sflag:s25] =	ssyncadd.s32 $0xFFFFE000  }
0x9d: {  	_ =	swait.ge [sflag:s25], $0x2000  }
0x9e: {  	[sflag:s25] =	ssyncset.done $0x0  }
0x9f: {  	[sflag:s25] =	ssyncadd.s32 $0xFFFFE000  }
0xa0: {  	_ =	swait.ge [sflag:s25], $0x2000  }
0xa1: {  	[sflag:s25] =	ssyncset.done $0x0  }
0xa2: {  	[sflag:s25] =	ssyncadd.s32 $0xFFFFE000  }
0xa3: {  	_ =	swait.ge [sflag:s25], $0x2000  }
0xa4: {  	[sflag:s25] =	ssyncset.done $0x0  }
0xa5: {  	[sflag:s25] =	ssyncadd.s32 $0xFFFFE000  }
0xa6: {  	_ =	swait.ge [sflag:s25], $0x2000  }
0xa7: {  	[sflag:s25] =	ssyncset.done $0x0  }
0xa8: {  	[sflag:s25] =	ssyncadd.s32 $0xFFFFE000  }
0xa9: {  	[hbm4b:s18+s26] =	stream.strided.scatter [tilespmem:s12], [sflag:$0x3], $0xA000, s11, s26, $0x38;
	[tilespmem:$0x1A400] =	vst v63  }
0xaa: {  	_ =	swait.ge [sflag:s10], $0xA000  }
0xab: {  	[sflag:s10] =	ssyncset.done $0x0  }
0xac: {  	s1 =	sadd.s32 $0x500, s29;
	[sflag:s10] =	ssyncadd.s32 $0xFFFF6000  }
0xad: {  	[tilespmem:s12], [sflag:$0x1] =	stream.indirect.gather [hbm4b:s3+s11], $0x40, s1, s11, $0xb8;
	[tilespmem:$0x1A400] =	vst v63  }
0xae: {  	s18 =	sadd.s32 $0x580, s29  }
0xaf: {  	[tilespmem:s13], [sflag:$0x1] =	stream.indirect.gather [hbm4b:s3+s11], $0x40, s18, s11, $0xb8;
	[tilespmem:$0x1A400] =	vst v63  }
0xb0: {  	s30 =	sadd.s32 $0x600, s29  }
0xb1: {  	[tilespmem:s15], [sflag:$0x1] =	stream.indirect.gather [hbm4b:s3+s11], $0x40, s30, s11, $0xb8;
	[tilespmem:$0x1A400] =	vst v63  }
0xb2: {  	s31 =	sadd.s32 $0x680, s29  }
0xb3: {  	[tilespmem:s17], [sflag:$0x1] =	stream.indirect.gather [hbm4b:s3+s11], $0x40, s31, s11, $0xb8;
	[tilespmem:$0x1A400] =	vst v63  }
0xb4: {  	s1 =	sadd.s32 $0x700, s29  }
0xb5: {  	[tilespmem:s19], [sflag:$0x1] =	stream.indirect.gather [hbm4b:s3+s11], $0x40, s1, s11, $0xb8;
	[tilespmem:$0x1A400] =	vst v63  }
0xb6: {  	_ =	swait.ge [sflag:s28], $0x2000  }
0xb7: {  	[sflag:s28] =	ssyncset.done $0x0  }
0xb8: {  	[sflag:s28] =	ssyncadd.s32 $0xFFFFE000  }
0xb9: {  	_ =	swait.ge [sflag:s28], $0x2000  }
0xba: {  	[sflag:s28] =	ssyncset.done $0x0  }
0xbb: {  	[sflag:s28] =	ssyncadd.s32 $0xFFFFE000  }
0xbc: {  	_ =	swait.ge [sflag:s28], $0x2000  }
0xbd: {  	[sflag:s28] =	ssyncset.done $0x0  }
0xbe: {  	[sflag:s28] =	ssyncadd.s32 $0xFFFFE000  }
0xbf: {  	_ =	swait.ge [sflag:s28], $0x2000  }
0xc0: {  	[sflag:s28] =	ssyncset.done $0x0  }
0xc1: {  	[sflag:s28] =	ssyncadd.s32 $0xFFFFE000  }
0xc2: {  	_ =	swait.ge [sflag:s28], $0x2000  }
0xc3: {  	[sflag:s28] =	ssyncset.done $0x0  }
0xc4: {  	[sflag:s28] =	ssyncadd.s32 $0xFFFFE000  }
0xc5: {  	[hbm4b:s16+s26] =	stream.strided.scatter [tilespmem:s20], [sflag:$0x3], $0xA000, s11, s26, $0x38;
	[tilespmem:$0x1A400] =	vst v63  }
0xc6: {  	_ =	swait.ge [sflag:s10], $0xA000  }
0xc7: {  	[sflag:s10] =	ssyncset.done $0x0  }
0xc8: {  	s16 =	simm.s32 $0x6180;
	[sflag:s10] =	ssyncadd.s32 $0xFFFF6000  }
0xc9: {  	[tilespmem:s20], [sflag:$0x2] =	stream.indirect.gather [hbm4b:s3+s11], $0x40, s16, s11, $0xb8;
	[tilespmem:$0x1A400] =	vst v63  }
0xca: {  	s18 =	simm.s32 $0x6200  }
0xcb: {  	[tilespmem:s21], [sflag:$0x2] =	stream.indirect.gather [hbm4b:s3+s11], $0x40, s18, s11, $0xb8;
	[tilespmem:$0x1A400] =	vst v63  }
0xcc: {  	s29 =	simm.s32 $0x6280  }
0xcd: {  	[tilespmem:s22], [sflag:$0x2] =	stream.indirect.gather [hbm4b:s3+s11], $0x40, s29, s11, $0xb8;
	[tilespmem:$0x1A400] =	vst v63  }
0xce: {  	s30 =	simm.s32 $0x6300  }
0xcf: {  	[tilespmem:s23], [sflag:$0x2] =	stream.indirect.gather [hbm4b:s3+s11], $0x40, s30, s11, $0xb8;
	[tilespmem:$0x1A400] =	vst v63  }
0xd0: {  	s31 =	simm.s32 $0x6380  }
0xd1: {  	[tilespmem:s24], [sflag:$0x2] =	stream.indirect.gather [hbm4b:s3+s11], $0x40, s31, s11, $0xb8;
	[tilespmem:$0x1A400] =	vst v63  }
0xd2: {  	_ =	swait.ge [sflag:s25], $0x2000  }
0xd3: {  	[sflag:s25] =	ssyncset.done $0x0  }
0xd4: {  	[sflag:s25] =	ssyncadd.s32 $0xFFFFE000  }
0xd5: {  	_ =	swait.ge [sflag:s25], $0x2000  }
0xd6: {  	[sflag:s25] =	ssyncset.done $0x0  }
0xd7: {  	[sflag:s25] =	ssyncadd.s32 $0xFFFFE000  }
0xd8: {  	_ =	swait.ge [sflag:s25], $0x2000  }
0xd9: {  	[sflag:s25] =	ssyncset.done $0x0  }
0xda: {  	[sflag:s25] =	ssyncadd.s32 $0xFFFFE000  }
0xdb: {  	_ =	swait.ge [sflag:s25], $0x2000  }
0xdc: {  	[sflag:s25] =	ssyncset.done $0x0  }
0xdd: {  	[sflag:s25] =	ssyncadd.s32 $0xFFFFE000  }
0xde: {  	_ =	swait.ge [sflag:s25], $0x2000  }
0xdf: {  	[sflag:s25] =	ssyncset.done $0x0  }
0xe0: {  	[sflag:s25] =	ssyncadd.s32 $0xFFFFE000  }
0xe1: {  	[hbm4b:s6+s26] =	stream.strided.scatter [tilespmem:s12], [sflag:$0x3], $0xA000, s11, s26, $0x38;
	[tilespmem:$0x1A400] =	vst v63  }
0xe2: {  	_ =	swait.ge [sflag:s10], $0xA000  }
0xe3: {  	[sflag:s10] =	ssyncset.done $0x0  }
0xe4: {  	[sflag:s10] =	ssyncadd.s32 $0xFFFF6000  }
0xe5: {  	_ =	swait.ge [sflag:s28], $0x2000  }
0xe6: {  	[sflag:s28] =	ssyncset.done $0x0  }
0xe7: {  	[sflag:s28] =	ssyncadd.s32 $0xFFFFE000  }
0xe8: {  	_ =	swait.ge [sflag:s28], $0x2000  }
0xe9: {  	[sflag:s28] =	ssyncset.done $0x0  }
0xea: {  	[sflag:s28] =	ssyncadd.s32 $0xFFFFE000  }
0xeb: {  	_ =	swait.ge [sflag:s28], $0x2000  }
0xec: {  	[sflag:s28] =	ssyncset.done $0x0  }
0xed: {  	[sflag:s28] =	ssyncadd.s32 $0xFFFFE000  }
0xee: {  	_ =	swait.ge [sflag:s28], $0x2000  }
0xef: {  	[sflag:s28] =	ssyncset.done $0x0  }
0xf0: {  	[sflag:s28] =	ssyncadd.s32 $0xFFFFE000  }
0xf1: {  	s14 =	sadd.s32 $0x1, s14;
	_ =	swait.ge [sflag:s28], $0x2000  }
0xf2: {  	p0 =	sne.s32 s14, s5;
	[sflag:s28] =	ssyncset.done $0x0  }
.Ltmp1:
0xf3: {  	[sflag:s28] =	ssyncadd.s32 $0xFFFFE000;
	(pc) =	sbr.rel @p0 .LBB2_1-.Ltmp1, $4  }
0xf4: {  	[hbm4b:s7+s26] =	stream.strided.scatter [tilespmem:s20], [sflag:$0x3], $0xA000, s11, s26, $0x38;
	[tilespmem:$0x1A400] =	vst v63  }
0xf5: {  	_ =	swait.ge [sflag:s10], $0xA000  }
0xf6: {  	[sflag:s10] =	ssyncset.done $0x0  }
0xf7: {  	[sflag:s10] =	ssyncadd.s32 $0xFFFF6000  }
0xf8: {  	_ =	sfence.sel $0x180000  }
0xf9: {  	[bflag:$0x0] =	sbarrier.arrive $0xFFFF  }
0xfa: {  	_ =	strace $0x90000047  }
0xfb: {  	s0 =	stileid.u32;
	[bflag:$0x2] =	sbarrier.arrive $0xFFFF  }
0xfc: {  	p0 =	sne.s32 s0, $0x0;
	s0 =	rddreg [dreg:$0x2]  }
0xfd: {  	s0 =	sadd.s32 @!p0 $0x100000, s0  }
0xfe: {  	[sflag:s0] =	ssyncadd.tile.s32 @!p0 $0x1;
	_ =	shalt  }
.Lfunc_end2:
_tile_overlayer_lowered:
.L_overlay_start_2:
0xff: {  	(tag) =	ssettag $0x2  }
0x100: {  	s0 =	rddreg [dreg:$0x0];
	s2 =	stileid.u32  }
0x101: {  	s1 =	rddreg [dreg:$0x1];
	p0 =	sne.s32 s2, $0x0  }
0x102: {  	s3 =	rddreg [dreg:$0x2];
	[bflag:$0x3] =	sbarrier.arrive $0xFFFF;
	s2 =	simm.s32 @!p0 $0x1C03  }
0x103: {  	[timem:s3], [sflag:s2] =	dma.local @!p0 [hbm:s0], s1  }
0x104: {  	s0 =	simm.s32 @!p0 $0x3  }
0x105: {  	_ =	swait.ge @!p0 [sflag:s0], s1  }
0x106: {  	s1 =	ssub.s32 @!p0 $0x0, s1;
	[sflag:s0] =	ssyncset.done @!p0 $0x0  }
0x107: {  	[sflag:s0] =	ssyncadd.s32 @!p0 s1  }
0x108: {  	[bflag:$0x3] =	sbarrier.arrive $0xFFFF  }
0x109: {  	_ =	shalt  }

// kernel: sparse-core-data-format-call.cloned.1.call-start
scs
called_computation_lowered:
.L_overlay_start_0:
0x0: {  	s2 =	sld [smem:$0x3FD9]  }
0x1: {  	s3 =	sld [smem:$0x3FFE];
	_ =	sdelay $0x1  }
0x2: {  	s1 =	srdreg.scid  }
0x3: {  	s0 =	sand.u32 $0x1, s1  }
0x4: {  	s18 =	sshll.u32 s0, $0xA;
	s2 =	sadd.s32 s3, s2  }
0x5: {  	s2 =	sadd.s32 s2, s18  }
0x6: {  	[smem:$0x3FC6] =	sst s2  }
0x7: {  	_ = 	snop  }
0x8: {  	s2 =	sld [smem:$0x3FD0];
	(tm) =	ssettm $0x1  }
0x9: {  	s19 =	sld [smem:$0x3FFB];
	_ =	sdelay $0x3  }
0xa: {  	_ =	strace s19  }
0xb: {  	s3 =	sld [smem:$0x3FFC];
	_ =	sdelay $0x3  }
0xc: {  	_ =	strace s3  }
0xd: {  	s3 =	sld [smem:$0x3FFD];
	_ =	sdelay $0x3  }
0xe: {  	_ =	strace s3  }
0xf: {  	_ =	strace $0x8FFFFFFF  }
0x10: {  	s20 =	sld [smem:$0x3FDB];
	_ =	sdelay $0x1  }
0x11: {  	s4 =	simm.s32 $_scs_section_size  }
0x12: {  	s5 =	simm.s32 $_size__tile_overlayer_lowered;
	s6 =	simm.s32 $_tile_overlayer_lowered  }
0x13: {  	s23 =	simm.s32 $0x1BFF;
	s22 =	sshll.u32 s6, $0x1;
	s3 =	sadd.s32 s4, s20  }
0x14: {  	s7 =	simm.s32 $0x0;
	s21 =	sshll.u32 s5, $0x1;
	s5 =	sadd.s32 s22, s3  }
0x15: {  	[timem:s7], [sflag:s23] =	dma.local [hbm:s5], s21  }
0x16: {  	_ =	swait.ge [sflag:s23], s21  }
0x17: {  	s4 =	ssub.s32 $0x0, s21;
	[sflag:s23] =	ssyncset.done $0x0  }
0x18: {  	[sflag:s23] =	ssyncadd.s32 s4;
	_ =	sdelay $0x1  }
0x19: {  	s24 =	simm.s32 $0x1B8B  }
0x1a: {  	_ =	swait.ge [sflag:s24], $0x1  }
0x1b: {  	[sflag:s24] =	ssyncset.done $0x0  }
0x1c: {  	s26 =	simm.s32 $0x1B8E;
	s25 =	sld [smem:$0x3FFE];
	[sflag:s24] =	ssyncadd.s32 $0xFFFFFFFF  }
0x1d: {  	s27 =	simm.s32 $execute0_lowered;
	[smem:$0x3FD2] =	sst s26  }
0x1e: {  	s5 =	sshll.u32 s27, $0x1;
	_ =	strace $0x80000049;
	[dreg:$0x1] =	wrdreg $0xFFFFFFFF  }
0x1f: {  	s28 =	simm.s32 $_size_execute0_lowered;
	s3 =	sadd.s32 s3, s5;
	[dreg:$0x0] =	wrdreg $0x0  }
0x20: {  	s5 =	sshll.u32 s28, $0x1;
	[dreg:$0x2] =	wrdreg s3  }
0x21: {  	[dreg:$0x3] =	wrdreg s5  }
0x22: {  	[dreg:$0x4] =	wrdreg $0xC0  }
0x23: {  	_ =	task [dreg:s7], $0x5FFFF  }
0x24: {  	[dreg:$0x1] =	wrdreg $0xFFFFFFFF  }
0x25: {  	[dreg:$0x0] =	wrdreg $0x60  }
0x26: {  	[dreg:$0x2] =	wrdreg s25  }
0x27: {  	[dreg:$0x3] =	wrdreg s2  }
0x28: {  	[dreg:$0x4] =	wrdreg $0x9  }
0x29: {  	_ =	task.clear_ibuf [dreg:s7], $0x5FFFF;
	_ =	strace $0x90000049  }
0x2a: {  	s29 =	simm.s32 $0x9;
	_ =	strace $0x8000004B  }
0x2b: {  	_ =	swait.ge [sflag:s29], $0x1  }
0x2c: {  	[sflag:s29] =	ssyncadd.s32 $0xFFFFFFFF  }
0x2d: {  	_ =	strace $0x9000004B  }
0x2e: {  	_ =	sfence  }
0x2f: {  	s30 =	sld [smem:$0x0];
	_ =	sdelay $0x2  }
0x30: {  	s31 =	sshll.u32 s1, $0xD;
	s1 =	sshrl.u32 s1, $0x2  }
0x31: {  	s3 =	sand.u32 $0x4000, s31;
	s1 =	sadd.s32 s1, s30  }
0x32: {  	s0 =	sor.u32 s3, s0;
	s1 =	sshll.u32 s1, $0x11  }
0x33: {  	s0 =	sor.u32 s1, s0  }
0x34: {  	s0 =	sadd.s32 $0x8F2B, s0  }
0x35: {  	[sflag:s0] =	ssyncadd.remote.s32 $0x1  }
0x36: {  	_ =	sfence.sel $0xFFFF  }
0x37: {  	[dreg:$0x0] =	wrdreg $0xFFFFFFFF;
	(pc) =	sbr.abs _section_cstart, $3  }
0x38: {  	[dreg:$0x1] =	wrdreg $0xFFFFFFFF  }
0x39: {  	_ =	task.clear_ibuf [dreg:s7], $0x2FFFF;
	_ =	strace $0x9FFFFFFF  }
0x3a: {  	(tm) =	ssettm $0x7FFFFFFF  }
0x3b: {  	_ =	shalt  }
tec
execute0_lowered:
.L_overlay_start_1:
0x0: {  	(tag) =	ssettag $0x1  }
0x1: {  	s0 =	srdreg.scid  }
0x2: {  	s1 =	sshll.u32 s0, $0x4  }
0x3: {  	s0 =	stileid.u32;
	s1 =	sand.u32 $0x10, s1  }
0x4: {  	s1 =	sor.u32 s0, s1  }
0x5: {  	s6 =	rddreg [dreg:$0x0];
	s4 =	simm.s32 $0x1;
	s2 =	sshll.u32 s1, $0x7  }
0x6: {  	s7 =	simm.s32 $0x2;
	s12 =	simm.s32 $0x0;
	s1 =	ssub.s32 $0x1000, s2  }
0x7: {  	s8 =	simm.s32 $0x8000;
	s13 =	simm.s32 $0x0;
	s3 =	sand.u32 $0xF80, s1  }
0x8: {  	s9 =	simm.s32 $0x0;
	s5 =	sshrl.u32 s1, $0xC;
	p0 =	sne.s32 s3, $0x0  }
.Ltmp0:
0x9: {  	s1 =	rddreg [dreg:$0x2];
	s4 =	simm.s32 @!p0 $0x0;
	(pc) =	sbr.rel .LBB1_1-.Ltmp0, $4  }
0xa: {  	s11 =	simm.s32 $0x0;
	s3 =	rddreg [dreg:$0x1];
	s5 =	sadd.s32 s4, s5  }
0xb: {  	_ =	strace $0x8000004A;
	s4 =	simm.s32 $0x1;
	s5 =	smul.u32 $0xC8, s5  }
0xc: {  	s6 =	sadd.s32 $0xA00, s6;
	s10 =	smov.u32 s2;
	[sflag:s4] =	ssyncpa.u1 $0x0  }
0xd: {  	p0 =	por $0x0, $0x0;
	[sflag:s7] =	ssyncpa.u1 $0x0;
	s7 =	sor.u32 $0x1, s5  }
.LBB1_4:
0xe: {  	s16 =	sshll.u32 s13, $0x3;
	s17 =	sand.u32 $0x78, s13  }
0xf: {  	s30 =	sand.u32 $0x7E00, s13;
	s12 =	sshll.u32 s12, $0xF;
	s16 =	sand.u32 $0xC00, s16  }
0x10: {  	[tilespmem:s15+$0x810 ss:$0x81] =	vst.msk $0xffff, v2;
	s31 =	sand.u32 $0x7, s13;
	s16 =	sor.u32 s17, s16;
	s17 =	sadd.s32 s3, s30  }
0x11: {  	[tilespmem:s15+$0x1020 ss:$0x81] =	vst.msk $0xffff, v0;
	s13 =	sshll.u32 s31, $0x12;
	s12 =	sadd.s32 s12, s17;
	s16 =	sshrl.u32 s16, $0x3  }
0x12: {  	[tilespmem:s15+$0x0 ss:$0x81] =	vst.msk $0xffff, v1;
	s13 =	sor.u32 $0x400, s13;
	s12 =	sadd.s32 s16, s12  }
0x13: {  	[hbm4b:s12+s13] =	stream.strided.scatter [tilespmem:s14], [sflag:$0x2], $0x2000, s8, s13, $0x20;
	[tilespmem:$0x8080] =	vst v63  }
.LBB1_5:
0x14: {  	s14 =	sadd.s32 $0x1, s9  }
0x15: {  	s12 =	sadd.s32 $0x1000, s10;
	s16 =	smov.u32 s10;
	p2 =	sgt.s32 s14, $0xC7  }
0x16: {  	s16 =	smov.u32 @p2 s12  }
0x17: {  	s14 =	simm.s32 @p2 $0x0;
	p2 =	sgt.s32 s16, $0xFFF  }
0x18: {  	s16 =	smov.u32 @p2 s2;
	p2 =	sne.s32 s11, s7  }
.Ltmp1:
0x19: {  	p1 =	slt.u32 s11, $0x2;
	(pc) =	sbr.rel @!p2 .LBB1_6-.Ltmp1, $4  }
0x1a: {  	s15 =	simm.s32 @!p1 $0x2  }
0x1b: {  	s13 =	smov.u32 s10;
	p0 =	por !p0, !p0;
	_ =	swait.ge @!p1 [sflag:s15], $0x2000  }
0x1c: {  	s12 =	smov.u32 s9;
	[sflag:s15] =	ssyncset.done @!p1 $0x0;
	s9 =	smov.u32 s14  }
0x1d: {  	s11 =	sadd.s32 $0x1, s11;
	[sflag:s15] =	ssyncadd.s32 @!p1 $0xFFFFE000;
	s10 =	smov.u32 s16  }
.LBB1_1:
0x1e: {  	p1 =	sge.u32 s11, s5  }
0x1f: {  	s14 =	sand.u32 @!p1 $0x1FFFFFF, s9  }
0x20: {  	s15 =	smulhi.u32 @!p1 $0x147AE15, s14;
	_ =	sdelay $0x1  }
0x21: {  	s15 =	smul.u32 @!p1 $0xC8, s15  }
0x22: {  	s16 =	sxor.u32 @!p1 $0xFFFFFFFF, s11;
	s17 =	smul.u32 @!p1 $0xC80, s10  }
0x23: {  	s31 =	sadd.s32 $0xFFFFFFFF, s11;
	s16 =	sshll.u32 @!p1 s16, $0xD;
	s14 =	ssub.s32 @!p1 s14, s15  }
0x24: {  	s15 =	sand.u32 @!p1 $0x2000, s16;
	s16 =	sadd.s32 @!p1 s6, s17;
	s14 =	sshll.u32 @!p1 s14, $0x4  }
0x25: {  	s17 =	simm.s32 @!p1 $0x6400;
	s14 =	sadd.s32 @!p1 s14, s16;
	s16 =	simm.s32 @!p1 $0x40  }
0x26: {  	[tilespmem:s15], [sflag:$0x1] =	stream.strided.gather @!p1 [hbm4b:s14+s16], $0x2000, s17, s16, $0x38;
	[tilespmem:$0x8080] =	vst v63  }
0x27: {  	p1 =	sge.u32 s31, s5  }
.Ltmp2:
0x28: {  	_ = 	snop;
	(pc) =	sbr.rel @p1 .LBB1_5-.Ltmp2, $1  }
0x29: {  	_ =	sdelay $0x3  }
0x2a: {  	s14 =	simm.s32 $0x1  }
0x2b: {  	_ =	swait.ge [sflag:s4], $0x2000;
	s14 =	simm.s32 @!p0 $0x0  }
0x2c: {  	[sflag:s4] =	ssyncset.done $0x0;
	s15 =	sshll.u32 s14, $0xD  }
0x2d: {  	[sflag:s4] =	ssyncadd.s32 $0xFFFFE000;
	s18 =	sor.u32 $0x20, s15  }
0x2e: {  	s14 =	smul.u32 $0x8100, s14;
	v3 =	vld [tilespmem:s18+$0x10]  }
0x2f: {  	s30 =	sand.u32 $0x1, s11;
	v2 =	vld [tilespmem:s18+$0xFFFFFFF0]  }
0x30: {  	s15 =	smul.u32 $0x8100, s30;
	s14 =	sshrl.u32 s14, $0x2;
	v0 =	vld [tilespmem:s18+$0x0]  }
0x31: {  	v1 =	vld [tilespmem:s18+$0xFFFFFFE0];
	s16 =	sor.u32 $0x4000, s14  }
0x32: {  	s31 =	sshrl.u32 s15, $0x2;
	s15 =	sadd.s32 $0x0, s16  }
0x33: {  	s17 =	simm.s32 $0x4;
	s18 =	sadd.s32 $0x40, s18;
	s14 =	sor.u32 $0x4000, s31;
	[tilespmem:s15+$0x1830 ss:$0x81] =	vst.msk $0xffff, v3  }
.LBB1_3:
0x34: {  	v3 =	vld [tilespmem:s18+$0x10];
	p1 =	sne.s32 s17, $0x1FC;
	[tilespmem:s15+$0x810 ss:$0x81] =	vst.msk $0xffff, v2;
	s19 =	smov.u32 s17;
	s17 =	sadd.s32 $0x4, s17  }
.Ltmp3:
0x35: {  	v2 =	vld [tilespmem:s18+$0xFFFFFFF0];
	[tilespmem:s15+$0x1020 ss:$0x81] =	vst.msk $0xffff, v0;
	(pc) =	sbr.rel @p1 .LBB1_3-.Ltmp3, $4  }
0x36: {  	v0 =	vld [tilespmem:s18+$0x0];
	[tilespmem:s15+$0x0 ss:$0x81] =	vst.msk $0xffff, v1  }
0x37: {  	s15 =	sshra.s32 s19, $0x2;
	v1 =	vld [tilespmem:s18+$0xFFFFFFE0]  }
0x38: {  	s15 =	sadd.s32 s15, s16  }
0x39: {  	s18 =	sadd.s32 $0x40, s18;
	[tilespmem:s15+$0x1830 ss:$0x81] =	vst.msk $0xffff, v3  }
.Ltmp4:
0x3a: {  	_ = 	snop;
	(pc) =	sbr.rel .LBB1_4-.Ltmp4, $1  }
0x3b: {  	_ =	sdelay $0x3  }
.LBB1_6:
0x3c: {  	_ =	sfence.sel $0x180000  }
0x3d: {  	s2 =	simm.s32 $0x1;
	[bflag:$0x0] =	sbarrier.arrive $0xFFFF  }
0x3e: {  	s31 =	simm.s32 $0x2;
	[sflag:s2] =	ssyncpa.u1 $0x1  }
0x3f: {  	[sflag:s31] =	ssyncpa.u1 $0x1  }
0x40: {  	p0 =	sne.s32 s0, $0x0;
	_ =	strace $0x9000004A  }
0x41: {  	s0 =	sadd.s32 @!p0 $0x100000, s1;
	[bflag:$0x2] =	sbarrier.arrive $0xFFFF  }
0x42: {  	[sflag:s0] =	ssyncadd.tile.s32 @!p0 $0x1;
	_ =	shalt  }
.Lfunc_end1:
_tile_overlayer_lowered:
.L_overlay_start_2:
0x43: {  	(tag) =	ssettag $0x2  }
0x44: {  	s0 =	rddreg [dreg:$0x0];
	s2 =	stileid.u32  }
0x45: {  	s1 =	rddreg [dreg:$0x1];
	p0 =	sne.s32 s2, $0x0  }
0x46: {  	s3 =	rddreg [dreg:$0x2];
	[bflag:$0x3] =	sbarrier.arrive $0xFFFF;
	s2 =	simm.s32 @!p0 $0x1C01  }
0x47: {  	[timem:s3], [sflag:s2] =	dma.local @!p0 [hbm:s0], s1  }
0x48: {  	s0 =	simm.s32 @!p0 $0x1  }
0x49: {  	_ =	swait.ge @!p0 [sflag:s0], s1  }
0x4a: {  	s1 =	ssub.s32 @!p0 $0x0, s1;
	[sflag:s0] =	ssyncset.done @!p0 $0x0  }
0x4b: {  	[sflag:s0] =	ssyncadd.s32 @!p0 s1  }
0x4c: {  	[bflag:$0x3] =	sbarrier.arrive $0xFFFF  }
0x4d: {  	_ =	shalt  }

</sc_bundles>
